<compile_context>
chip_gen: v7x
topology: tpu7x:2x2x1
jax: 0.10.2.dev20260603
libtpu: 0.0.44.dev20260713+nightly
codegen_flags: <defaults>
</compile_context>

<pallas_src>
import functools

import jax
import jax.numpy as jnp
import numpy as np
from jax import lax
from jax.experimental import pallas as pl
from jax.experimental.pallas import tpu as pltpu
from jax.experimental.pallas import tpu_sc as plsc

N = 16384
NB = 1000
SMOOTH = 0.1
COLD = np.float32(SMOOTH / NB)
HOT = np.float32(np.float32(1.0 - SMOOTH) + COLD)

LANES = 16
CA = 16
CB = NB - CA
TC_BLK = 1024


def _build_sc_call(num_cores: int, num_subcores: int):
    num_workers = num_cores * num_subcores
    cols_per_w = N // num_workers
    mesh = plsc.VectorSubcoreMesh(
        core_axis_name="c", subcore_axis_name="s",
        num_cores=num_cores, num_subcores=num_subcores)

    @functools.partial(
        pl.kernel,
        out_type=jax.ShapeDtypeStruct((CA, N), jnp.float32),
        mesh=mesh,
        scratch_types=[
            pltpu.VMEM((cols_per_w,), jnp.int32),
            pltpu.VMEM((CA, cols_per_w), jnp.float32),
        ],
        compiler_params=pltpu.CompilerParams(needs_layout_passes=False),
    )
    def sc_kernel(x_hbm, fill_hbm, out_hbm, lab_v, buf_v):
        wid = lax.axis_index("s") * num_cores + lax.axis_index("c")
        base_col = wid * cols_per_w
        pltpu.sync_copy(x_hbm.at[pl.ds(base_col, cols_per_w)], lab_v)
        pltpu.sync_copy(fill_hbm, buf_v)

        hot = jnp.full((LANES,), HOT, jnp.float32)
        lane = lax.iota(jnp.int32, LANES)
        for j in range(cols_per_w // LANES):
            labs = lab_v[pl.ds(j * LANES, LANES)]
            mask = labs >= CB
            rows = jnp.maximum(labs, CB) - CB
            plsc.store_scatter(buf_v, [rows, lane + j * LANES], hot, mask=mask)
        pltpu.sync_copy(buf_v, out_hbm.at[:, pl.ds(base_col, cols_per_w)])

    return sc_kernel


def _tc_body(x_ref, out_ref):
    labs = x_ref[0, 0, :]
    rows = lax.broadcasted_iota(jnp.int32, (CB, TC_BLK), 0)
    out_ref[:, :] = jnp.where(rows == labs[None, :], HOT, COLD)


def kernel(x):
    xi = x.astype(jnp.int32)
    info = plsc.get_sparse_core_info()
    sc_call = _build_sc_call(info.num_cores, info.num_subcores)
    fill = np.full((CA, N // (info.num_cores * info.num_subcores)), COLD,
                   np.float32)
    sc_part = sc_call(xi, fill)

    tc_full = pl.pallas_call(
        _tc_body,
        out_shape=jax.ShapeDtypeStruct((NB, N), jnp.float32),
        grid=(N // TC_BLK,),
        in_specs=[pl.BlockSpec((1, 1, TC_BLK), lambda j: (j, 0, 0))],
        out_specs=pl.BlockSpec((CB, TC_BLK), lambda j: (0, j)),
    )(xi.reshape(N // TC_BLK, 1, TC_BLK))

    return lax.dynamic_update_slice(tc_full, sc_part, (CB, 0)).T

# --- scband reference (transcript-rebuilt; emitter-appended) ---
"""Pipeline reference for scband-one-hot-81733227643057 (READ-ONLY COPY).

The authoritative reference and input builder live on the scoring server;
editing this copy changes nothing except your own understanding.
"""

import jax, jax.numpy as jnp
import numpy as np

NB_CLASSES = 1000
SMOOTH = 0.1

def setup_inputs(seed: int = 0) -> dict:
    key = jax.random.key(seed)
    x = jax.random.randint(key, (16384,), 0, NB_CLASSES, dtype=jnp.int64 if jax.config.jax_enable_x64 else jnp.int32)
    return {"x": x}

def nums_to_smooth_onehot(x, nb_classes, smooth):
    # one-hot via scatter-set, then label smoothing
    onehot = jnp.zeros(x.shape + (nb_classes,), dtype=jnp.float32)
    onehot = onehot.at[jnp.arange(x.shape[0]), x].set(1.0)
    # smoothed: target gets (1 - smooth), all classes get uniform smooth mass
    return onehot * (1.0 - smooth) + smooth / nb_classes

def reference(x):
    return nums_to_smooth_onehot(x, NB_CLASSES, SMOOTH)

if __name__ == "__main__":
    import jax
    _d = setup_inputs()
    print(jax.jit(kernel)(*tuple(_d.values())))

</pallas_src>

<mosaic_0001>
#map = affine_map<(d0, d1) -> (0)>
#map1 = affine_map<(d0, d1) -> (0, 0)>
module attributes {stable_mosaic.version = 14 : i64} {
  func.func @sc_kernel(%arg0: i32, %arg1: i32, %arg2: memref<16384xi32, #tpu.memory_space<hbm>>, %arg3: memref<16x512xf32, #tpu.memory_space<hbm>>, %arg4: memref<16x16384xf32, #tpu.memory_space<hbm>>, %arg5: memref<512xi32, #tpu.memory_space<vmem>>, %arg6: memref<16x512xf32, #tpu.memory_space<vmem>>) attributes {dimension_semantics = [#tpu.dimension_semantics<core_parallel>, #tpu.dimension_semantics<subcore_parallel>], iteration_bounds = array<i64: 2, 16>, scalar_prefetch = 0 : i64, scratch_operands = 2 : i64, tpu.core_type = #tpu.core_type<sc_vector_subcore>, window_params = [{transform_indices = #map}, {transform_indices = #map1}, {transform_indices = #map1}]} {
    %mul3A = arith.constant 2 : i32
    %mul3A_0 = arith.muli %arg1, %mul3A : i32
    %add3A = arith.addi %mul3A_0, %arg0 : i32
    %mul3A_1 = arith.constant 512 : i32
    %mul3A_2 = arith.muli %add3A, %mul3A_1 : i32
    "tpu.region"() ({
      %run_scoped3A = tpu.sem_alloc : memref<!tpu.dma_semaphore, #tpu.memory_space<semaphore_mem>>
      %dma_start3A = tpu.memref_slice %arg2[%mul3A_2] : memref<16384xi32, #tpu.memory_space<hbm>> -> memref<512xi32, #tpu.memory_space<hbm>>
      %dma_start3A_448 = tpu.memref_slice %arg2[%mul3A_2] : memref<16384xi32, #tpu.memory_space<hbm>> -> memref<512xi32, #tpu.memory_space<hbm>>
      tpu.enqueue_dma source(%dma_start3A_448 : memref<512xi32, #tpu.memory_space<hbm>>) target(%arg5 : memref<512xi32, #tpu.memory_space<vmem>>) target_semaphore(%run_scoped3A : memref<!tpu.dma_semaphore, #tpu.memory_space<semaphore_mem>>)
      %dma_wait3A = tpu.memref_slice %arg2[%mul3A_2] : memref<16384xi32, #tpu.memory_space<hbm>> -> memref<512xi32, #tpu.memory_space<hbm>>
      %dma_wait3A_449 = tpu.memref_slice %arg2[%mul3A_2] : memref<16384xi32, #tpu.memory_space<hbm>> -> memref<512xi32, #tpu.memory_space<hbm>>
      tpu.wait_dma2 semaphore(%run_scoped3A : memref<!tpu.dma_semaphore, #tpu.memory_space<semaphore_mem>>) src(%dma_wait3A_449 : memref<512xi32, #tpu.memory_space<hbm>>) dst(%arg5 : memref<512xi32, #tpu.memory_space<vmem>>)
      tpu.yield
    }) : () -> ()
    "tpu.region"() ({
      %run_scoped3A = tpu.sem_alloc : memref<!tpu.dma_semaphore, #tpu.memory_space<semaphore_mem>>
      tpu.enqueue_dma source(%arg3 : memref<16x512xf32, #tpu.memory_space<hbm>>) target(%arg6 : memref<16x512xf32, #tpu.memory_space<vmem>>) target_semaphore(%run_scoped3A : memref<!tpu.dma_semaphore, #tpu.memory_space<semaphore_mem>>)
      tpu.wait_dma2 semaphore(%run_scoped3A : memref<!tpu.dma_semaphore, #tpu.memory_space<semaphore_mem>>) src(%arg3 : memref<16x512xf32, #tpu.memory_space<hbm>>) dst(%arg6 : memref<16x512xf32, #tpu.memory_space<vmem>>)
      tpu.yield
    }) : () -> ()
    %broadcast_in_dim3A = arith.constant 9.001000e-01 : f32
    %broadcast_in_dim3A_3 = vector.broadcast %broadcast_in_dim3A : f32 to vector<16xf32>
    %iota3A = tpu.iota {dimensions = array<i32: 0>} : vector<16xi32>
    %get3A = arith.constant 0 : index
    %get3A_4 = tpu.vector_load %arg5[%get3A] {strides = array<i32>} : memref<512xi32, #tpu.memory_space<vmem>>, vector<16xi32>,
    %ge3A = arith.constant 984 : i32
    %ge3A_5 = vector.broadcast %ge3A : i32 to vector<16xi32>
    %ge3A_6 = arith.cmpi sge, %get3A_4, %ge3A_5 : vector<16xi32>
    %max3A = arith.constant 984 : i32
    %max3A_7 = vector.broadcast %max3A : i32 to vector<16xi32>
    %max3A_8 = arith.maxsi %get3A_4, %max3A_7 : vector<16xi32>
    %sub3A = arith.constant 984 : i32
    %sub3A_9 = vector.broadcast %sub3A : i32 to vector<16xi32>
    %sub3A_10 = arith.subi %max3A_8, %sub3A_9 : vector<16xi32>
    %add3A_11 = arith.constant 0 : i32
    %add3A_12 = vector.broadcast %add3A_11 : i32 to vector<16xi32>
    %add3A_13 = arith.addi %iota3A, %add3A_12 : vector<16xi32>
    tpu.vector_store_idx %arg6[%sub3A_10, %add3A_13], %broadcast_in_dim3A_3 masked %ge3A_6 : memref<16x512xf32, #tpu.memory_space<vmem>>[vector<16xi32>, vector<16xi32>], vector<16xf32>, vector<16xi1>
    %get3A_14 = arith.constant 16 : index
    %get3A_15 = tpu.vector_load %arg5[%get3A_14] {strides = array<i32>} : memref<512xi32, #tpu.memory_space<vmem>>, vector<16xi32>,
    %ge3A_16 = arith.constant 984 : i32
    %ge3A_17 = vector.broadcast %ge3A_16 : i32 to vector<16xi32>
    %ge3A_18 = arith.cmpi sge, %get3A_15, %ge3A_17 : vector<16xi32>
    %max3A_19 = arith.constant 984 : i32
    %max3A_20 = vector.broadcast %max3A_19 : i32 to vector<16xi32>
    %max3A_21 = arith.maxsi %get3A_15, %max3A_20 : vector<16xi32>
    %sub3A_22 = arith.constant 984 : i32
    %sub3A_23 = vector.broadcast %sub3A_22 : i32 to vector<16xi32>
    %sub3A_24 = arith.subi %max3A_21, %sub3A_23 : vector<16xi32>
    %add3A_25 = arith.constant 16 : i32
    %add3A_26 = vector.broadcast %add3A_25 : i32 to vector<16xi32>
    %add3A_27 = arith.addi %iota3A, %add3A_26 : vector<16xi32>
    tpu.vector_store_idx %arg6[%sub3A_24, %add3A_27], %broadcast_in_dim3A_3 masked %ge3A_18 : memref<16x512xf32, #tpu.memory_space<vmem>>[vector<16xi32>, vector<16xi32>], vector<16xf32>, vector<16xi1>
    %get3A_28 = arith.constant 32 : index
    %get3A_29 = tpu.vector_load %arg5[%get3A_28] {strides = array<i32>} : memref<512xi32, #tpu.memory_space<vmem>>, vector<16xi32>,
    %ge3A_30 = arith.constant 984 : i32
    %ge3A_31 = vector.broadcast %ge3A_30 : i32 to vector<16xi32>
    %ge3A_32 = arith.cmpi sge, %get3A_29, %ge3A_31 : vector<16xi32>
    %max3A_33 = arith.constant 984 : i32
    %max3A_34 = vector.broadcast %max3A_33 : i32 to vector<16xi32>
    %max3A_35 = arith.maxsi %get3A_29, %max3A_34 : vector<16xi32>
    %sub3A_36 = arith.constant 984 : i32
    %sub3A_37 = vector.broadcast %sub3A_36 : i32 to vector<16xi32>
    %sub3A_38 = arith.subi %max3A_35, %sub3A_37 : vector<16xi32>
    %add3A_39 = arith.constant 32 : i32
    %add3A_40 = vector.broadcast %add3A_39 : i32 to vector<16xi32>
    %add3A_41 = arith.addi %iota3A, %add3A_40 : vector<16xi32>
    tpu.vector_store_idx %arg6[%sub3A_38, %add3A_41], %broadcast_in_dim3A_3 masked %ge3A_32 : memref<16x512xf32, #tpu.memory_space<vmem>>[vector<16xi32>, vector<16xi32>], vector<16xf32>, vector<16xi1>
    %get3A_42 = arith.constant 48 : index
    %get3A_43 = tpu.vector_load %arg5[%get3A_42] {strides = array<i32>} : memref<512xi32, #tpu.memory_space<vmem>>, vector<16xi32>,
    %ge3A_44 = arith.constant 984 : i32
    %ge3A_45 = vector.broadcast %ge3A_44 : i32 to vector<16xi32>
    %ge3A_46 = arith.cmpi sge, %get3A_43, %ge3A_45 : vector<16xi32>
    %max3A_47 = arith.constant 984 : i32
    %max3A_48 = vector.broadcast %max3A_47 : i32 to vector<16xi32>
    %max3A_49 = arith.maxsi %get3A_43, %max3A_48 : vector<16xi32>
    %sub3A_50 = arith.constant 984 : i32
    %sub3A_51 = vector.broadcast %sub3A_50 : i32 to vector<16xi32>
    %sub3A_52 = arith.subi %max3A_49, %sub3A_51 : vector<16xi32>
    %add3A_53 = arith.constant 48 : i32
    %add3A_54 = vector.broadcast %add3A_53 : i32 to vector<16xi32>
    %add3A_55 = arith.addi %iota3A, %add3A_54 : vector<16xi32>
    tpu.vector_store_idx %arg6[%sub3A_52, %add3A_55], %broadcast_in_dim3A_3 masked %ge3A_46 : memref<16x512xf32, #tpu.memory_space<vmem>>[vector<16xi32>, vector<16xi32>], vector<16xf32>, vector<16xi1>
    %get3A_56 = arith.constant 64 : index
    %get3A_57 = tpu.vector_load %arg5[%get3A_56] {strides = array<i32>} : memref<512xi32, #tpu.memory_space<vmem>>, vector<16xi32>,
    %ge3A_58 = arith.constant 984 : i32
    %ge3A_59 = vector.broadcast %ge3A_58 : i32 to vector<16xi32>
    %ge3A_60 = arith.cmpi sge, %get3A_57, %ge3A_59 : vector<16xi32>
    %max3A_61 = arith.constant 984 : i32
    %max3A_62 = vector.broadcast %max3A_61 : i32 to vector<16xi32>
    %max3A_63 = arith.maxsi %get3A_57, %max3A_62 : vector<16xi32>
    %sub3A_64 = arith.constant 984 : i32
    %sub3A_65 = vector.broadcast %sub3A_64 : i32 to vector<16xi32>
    %sub3A_66 = arith.subi %max3A_63, %sub3A_65 : vector<16xi32>
    %add3A_67 = arith.constant 64 : i32
    %add3A_68 = vector.broadcast %add3A_67 : i32 to vector<16xi32>
    %add3A_69 = arith.addi %iota3A, %add3A_68 : vector<16xi32>
    tpu.vector_store_idx %arg6[%sub3A_66, %add3A_69], %broadcast_in_dim3A_3 masked %ge3A_60 : memref<16x512xf32, #tpu.memory_space<vmem>>[vector<16xi32>, vector<16xi32>], vector<16xf32>, vector<16xi1>
    %get3A_70 = arith.constant 80 : index
    %get3A_71 = tpu.vector_load %arg5[%get3A_70] {strides = array<i32>} : memref<512xi32, #tpu.memory_space<vmem>>, vector<16xi32>,
    %ge3A_72 = arith.constant 984 : i32
    %ge3A_73 = vector.broadcast %ge3A_72 : i32 to vector<16xi32>
    %ge3A_74 = arith.cmpi sge, %get3A_71, %ge3A_73 : vector<16xi32>
    %max3A_75 = arith.constant 984 : i32
    %max3A_76 = vector.broadcast %max3A_75 : i32 to vector<16xi32>
    %max3A_77 = arith.maxsi %get3A_71, %max3A_76 : vector<16xi32>
    %sub3A_78 = arith.constant 984 : i32
    %sub3A_79 = vector.broadcast %sub3A_78 : i32 to vector<16xi32>
    %sub3A_80 = arith.subi %max3A_77, %sub3A_79 : vector<16xi32>
    %add3A_81 = arith.constant 80 : i32
    %add3A_82 = vector.broadcast %add3A_81 : i32 to vector<16xi32>
    %add3A_83 = arith.addi %iota3A, %add3A_82 : vector<16xi32>
    tpu.vector_store_idx %arg6[%sub3A_80, %add3A_83], %broadcast_in_dim3A_3 masked %ge3A_74 : memref<16x512xf32, #tpu.memory_space<vmem>>[vector<16xi32>, vector<16xi32>], vector<16xf32>, vector<16xi1>
    %get3A_84 = arith.constant 96 : index
    %get3A_85 = tpu.vector_load %arg5[%get3A_84] {strides = array<i32>} : memref<512xi32, #tpu.memory_space<vmem>>, vector<16xi32>,
    %ge3A_86 = arith.constant 984 : i32
    %ge3A_87 = vector.broadcast %ge3A_86 : i32 to vector<16xi32>
    %ge3A_88 = arith.cmpi sge, %get3A_85, %ge3A_87 : vector<16xi32>
    %max3A_89 = arith.constant 984 : i32
    %max3A_90 = vector.broadcast %max3A_89 : i32 to vector<16xi32>
    %max3A_91 = arith.maxsi %get3A_85, %max3A_90 : vector<16xi32>
    %sub3A_92 = arith.constant 984 : i32
    %sub3A_93 = vector.broadcast %sub3A_92 : i32 to vector<16xi32>
    %sub3A_94 = arith.subi %max3A_91, %sub3A_93 : vector<16xi32>
    %add3A_95 = arith.constant 96 : i32
    %add3A_96 = vector.broadcast %add3A_95 : i32 to vector<16xi32>
    %add3A_97 = arith.addi %iota3A, %add3A_96 : vector<16xi32>
    tpu.vector_store_idx %arg6[%sub3A_94, %add3A_97], %broadcast_in_dim3A_3 masked %ge3A_88 : memref<16x512xf32, #tpu.memory_space<vmem>>[vector<16xi32>, vector<16xi32>], vector<16xf32>, vector<16xi1>
    %get3A_98 = arith.constant 112 : index
    %get3A_99 = tpu.vector_load %arg5[%get3A_98] {strides = array<i32>} : memref<512xi32, #tpu.memory_space<vmem>>, vector<16xi32>,
    %ge3A_100 = arith.constant 984 : i32
    %ge3A_101 = vector.broadcast %ge3A_100 : i32 to vector<16xi32>
    %ge3A_102 = arith.cmpi sge, %get3A_99, %ge3A_101 : vector<16xi32>
    %max3A_103 = arith.constant 984 : i32
    %max3A_104 = vector.broadcast %max3A_103 : i32 to vector<16xi32>
    %max3A_105 = arith.maxsi %get3A_99, %max3A_104 : vector<16xi32>
    %sub3A_106 = arith.constant 984 : i32
    %sub3A_107 = vector.broadcast %sub3A_106 : i32 to vector<16xi32>
    %sub3A_108 = arith.subi %max3A_105, %sub3A_107 : vector<16xi32>
    %add3A_109 = arith.constant 112 : i32
    %add3A_110 = vector.broadcast %add3A_109 : i32 to vector<16xi32>
    %add3A_111 = arith.addi %iota3A, %add3A_110 : vector<16xi32>
    tpu.vector_store_idx %arg6[%sub3A_108, %add3A_111], %broadcast_in_dim3A_3 masked %ge3A_102 : memref<16x512xf32, #tpu.memory_space<vmem>>[vector<16xi32>, vector<16xi32>], vector<16xf32>, vector<16xi1>
    %get3A_112 = arith.constant 128 : index
    %get3A_113 = tpu.vector_load %arg5[%get3A_112] {strides = array<i32>} : memref<512xi32, #tpu.memory_space<vmem>>, vector<16xi32>,
    %ge3A_114 = arith.constant 984 : i32
    %ge3A_115 = vector.broadcast %ge3A_114 : i32 to vector<16xi32>
    %ge3A_116 = arith.cmpi sge, %get3A_113, %ge3A_115 : vector<16xi32>
    %max3A_117 = arith.constant 984 : i32
    %max3A_118 = vector.broadcast %max3A_117 : i32 to vector<16xi32>
    %max3A_119 = arith.maxsi %get3A_113, %max3A_118 : vector<16xi32>
    %sub3A_120 = arith.constant 984 : i32
    %sub3A_121 = vector.broadcast %sub3A_120 : i32 to vector<16xi32>
    %sub3A_122 = arith.subi %max3A_119, %sub3A_121 : vector<16xi32>
    %add3A_123 = arith.constant 128 : i32
    %add3A_124 = vector.broadcast %add3A_123 : i32 to vector<16xi32>
    %add3A_125 = arith.addi %iota3A, %add3A_124 : vector<16xi32>
    tpu.vector_store_idx %arg6[%sub3A_122, %add3A_125], %broadcast_in_dim3A_3 masked %ge3A_116 : memref<16x512xf32, #tpu.memory_space<vmem>>[vector<16xi32>, vector<16xi32>], vector<16xf32>, vector<16xi1>
    %get3A_126 = arith.constant 144 : index
    %get3A_127 = tpu.vector_load %arg5[%get3A_126] {strides = array<i32>} : memref<512xi32, #tpu.memory_space<vmem>>, vector<16xi32>,
    %ge3A_128 = arith.constant 984 : i32
    %ge3A_129 = vector.broadcast %ge3A_128 : i32 to vector<16xi32>
    %ge3A_130 = arith.cmpi sge, %get3A_127, %ge3A_129 : vector<16xi32>
    %max3A_131 = arith.constant 984 : i32
    %max3A_132 = vector.broadcast %max3A_131 : i32 to vector<16xi32>
    %max3A_133 = arith.maxsi %get3A_127, %max3A_132 : vector<16xi32>
    %sub3A_134 = arith.constant 984 : i32
    %sub3A_135 = vector.broadcast %sub3A_134 : i32 to vector<16xi32>
    %sub3A_136 = arith.subi %max3A_133, %sub3A_135 : vector<16xi32>
    %add3A_137 = arith.constant 144 : i32
    %add3A_138 = vector.broadcast %add3A_137 : i32 to vector<16xi32>
    %add3A_139 = arith.addi %iota3A, %add3A_138 : vector<16xi32>
    tpu.vector_store_idx %arg6[%sub3A_136, %add3A_139], %broadcast_in_dim3A_3 masked %ge3A_130 : memref<16x512xf32, #tpu.memory_space<vmem>>[vector<16xi32>, vector<16xi32>], vector<16xf32>, vector<16xi1>
    %get3A_140 = arith.constant 160 : index
    %get3A_141 = tpu.vector_load %arg5[%get3A_140] {strides = array<i32>} : memref<512xi32, #tpu.memory_space<vmem>>, vector<16xi32>,
    %ge3A_142 = arith.constant 984 : i32
    %ge3A_143 = vector.broadcast %ge3A_142 : i32 to vector<16xi32>
    %ge3A_144 = arith.cmpi sge, %get3A_141, %ge3A_143 : vector<16xi32>
    %max3A_145 = arith.constant 984 : i32
    %max3A_146 = vector.broadcast %max3A_145 : i32 to vector<16xi32>
    %max3A_147 = arith.maxsi %get3A_141, %max3A_146 : vector<16xi32>
    %sub3A_148 = arith.constant 984 : i32
    %sub3A_149 = vector.broadcast %sub3A_148 : i32 to vector<16xi32>
    %sub3A_150 = arith.subi %max3A_147, %sub3A_149 : vector<16xi32>
    %add3A_151 = arith.constant 160 : i32
    %add3A_152 = vector.broadcast %add3A_151 : i32 to vector<16xi32>
    %add3A_153 = arith.addi %iota3A, %add3A_152 : vector<16xi32>
    tpu.vector_store_idx %arg6[%sub3A_150, %add3A_153], %broadcast_in_dim3A_3 masked %ge3A_144 : memref<16x512xf32, #tpu.memory_space<vmem>>[vector<16xi32>, vector<16xi32>], vector<16xf32>, vector<16xi1>
    %get3A_154 = arith.constant 176 : index
    %get3A_155 = tpu.vector_load %arg5[%get3A_154] {strides = array<i32>} : memref<512xi32, #tpu.memory_space<vmem>>, vector<16xi32>,
    %ge3A_156 = arith.constant 984 : i32
    %ge3A_157 = vector.broadcast %ge3A_156 : i32 to vector<16xi32>
    %ge3A_158 = arith.cmpi sge, %get3A_155, %ge3A_157 : vector<16xi32>
    %max3A_159 = arith.constant 984 : i32
    %max3A_160 = vector.broadcast %max3A_159 : i32 to vector<16xi32>
    %max3A_161 = arith.maxsi %get3A_155, %max3A_160 : vector<16xi32>
    %sub3A_162 = arith.constant 984 : i32
    %sub3A_163 = vector.broadcast %sub3A_162 : i32 to vector<16xi32>
    %sub3A_164 = arith.subi %max3A_161, %sub3A_163 : vector<16xi32>
    %add3A_165 = arith.constant 176 : i32
    %add3A_166 = vector.broadcast %add3A_165 : i32 to vector<16xi32>
    %add3A_167 = arith.addi %iota3A, %add3A_166 : vector<16xi32>
    tpu.vector_store_idx %arg6[%sub3A_164, %add3A_167], %broadcast_in_dim3A_3 masked %ge3A_158 : memref<16x512xf32, #tpu.memory_space<vmem>>[vector<16xi32>, vector<16xi32>], vector<16xf32>, vector<16xi1>
    %get3A_168 = arith.constant 192 : index
    %get3A_169 = tpu.vector_load %arg5[%get3A_168] {strides = array<i32>} : memref<512xi32, #tpu.memory_space<vmem>>, vector<16xi32>,
    %ge3A_170 = arith.constant 984 : i32
    %ge3A_171 = vector.broadcast %ge3A_170 : i32 to vector<16xi32>
    %ge3A_172 = arith.cmpi sge, %get3A_169, %ge3A_171 : vector<16xi32>
    %max3A_173 = arith.constant 984 : i32
    %max3A_174 = vector.broadcast %max3A_173 : i32 to vector<16xi32>
    %max3A_175 = arith.maxsi %get3A_169, %max3A_174 : vector<16xi32>
    %sub3A_176 = arith.constant 984 : i32
    %sub3A_177 = vector.broadcast %sub3A_176 : i32 to vector<16xi32>
    %sub3A_178 = arith.subi %max3A_175, %sub3A_177 : vector<16xi32>
    %add3A_179 = arith.constant 192 : i32
    %add3A_180 = vector.broadcast %add3A_179 : i32 to vector<16xi32>
    %add3A_181 = arith.addi %iota3A, %add3A_180 : vector<16xi32>
    tpu.vector_store_idx %arg6[%sub3A_178, %add3A_181], %broadcast_in_dim3A_3 masked %ge3A_172 : memref<16x512xf32, #tpu.memory_space<vmem>>[vector<16xi32>, vector<16xi32>], vector<16xf32>, vector<16xi1>
    %get3A_182 = arith.constant 208 : index
    %get3A_183 = tpu.vector_load %arg5[%get3A_182] {strides = array<i32>} : memref<512xi32, #tpu.memory_space<vmem>>, vector<16xi32>,
    %ge3A_184 = arith.constant 984 : i32
    %ge3A_185 = vector.broadcast %ge3A_184 : i32 to vector<16xi32>
    %ge3A_186 = arith.cmpi sge, %get3A_183, %ge3A_185 : vector<16xi32>
    %max3A_187 = arith.constant 984 : i32
    %max3A_188 = vector.broadcast %max3A_187 : i32 to vector<16xi32>
    %max3A_189 = arith.maxsi %get3A_183, %max3A_188 : vector<16xi32>
    %sub3A_190 = arith.constant 984 : i32
    %sub3A_191 = vector.broadcast %sub3A_190 : i32 to vector<16xi32>
    %sub3A_192 = arith.subi %max3A_189, %sub3A_191 : vector<16xi32>
    %add3A_193 = arith.constant 208 : i32
    %add3A_194 = vector.broadcast %add3A_193 : i32 to vector<16xi32>
    %add3A_195 = arith.addi %iota3A, %add3A_194 : vector<16xi32>
    tpu.vector_store_idx %arg6[%sub3A_192, %add3A_195], %broadcast_in_dim3A_3 masked %ge3A_186 : memref<16x512xf32, #tpu.memory_space<vmem>>[vector<16xi32>, vector<16xi32>], vector<16xf32>, vector<16xi1>
    %get3A_196 = arith.constant 224 : index
    %get3A_197 = tpu.vector_load %arg5[%get3A_196] {strides = array<i32>} : memref<512xi32, #tpu.memory_space<vmem>>, vector<16xi32>,
    %ge3A_198 = arith.constant 984 : i32
    %ge3A_199 = vector.broadcast %ge3A_198 : i32 to vector<16xi32>
    %ge3A_200 = arith.cmpi sge, %get3A_197, %ge3A_199 : vector<16xi32>
    %max3A_201 = arith.constant 984 : i32
    %max3A_202 = vector.broadcast %max3A_201 : i32 to vector<16xi32>
    %max3A_203 = arith.maxsi %get3A_197, %max3A_202 : vector<16xi32>
    %sub3A_204 = arith.constant 984 : i32
    %sub3A_205 = vector.broadcast %sub3A_204 : i32 to vector<16xi32>
    %sub3A_206 = arith.subi %max3A_203, %sub3A_205 : vector<16xi32>
    %add3A_207 = arith.constant 224 : i32
    %add3A_208 = vector.broadcast %add3A_207 : i32 to vector<16xi32>
    %add3A_209 = arith.addi %iota3A, %add3A_208 : vector<16xi32>
    tpu.vector_store_idx %arg6[%sub3A_206, %add3A_209], %broadcast_in_dim3A_3 masked %ge3A_200 : memref<16x512xf32, #tpu.memory_space<vmem>>[vector<16xi32>, vector<16xi32>], vector<16xf32>, vector<16xi1>
    %get3A_210 = arith.constant 240 : index
    %get3A_211 = tpu.vector_load %arg5[%get3A_210] {strides = array<i32>} : memref<512xi32, #tpu.memory_space<vmem>>, vector<16xi32>,
    %ge3A_212 = arith.constant 984 : i32
    %ge3A_213 = vector.broadcast %ge3A_212 : i32 to vector<16xi32>
    %ge3A_214 = arith.cmpi sge, %get3A_211, %ge3A_213 : vector<16xi32>
    %max3A_215 = arith.constant 984 : i32
    %max3A_216 = vector.broadcast %max3A_215 : i32 to vector<16xi32>
    %max3A_217 = arith.maxsi %get3A_211, %max3A_216 : vector<16xi32>
    %sub3A_218 = arith.constant 984 : i32
    %sub3A_219 = vector.broadcast %sub3A_218 : i32 to vector<16xi32>
    %sub3A_220 = arith.subi %max3A_217, %sub3A_219 : vector<16xi32>
    %add3A_221 = arith.constant 240 : i32
    %add3A_222 = vector.broadcast %add3A_221 : i32 to vector<16xi32>
    %add3A_223 = arith.addi %iota3A, %add3A_222 : vector<16xi32>
    tpu.vector_store_idx %arg6[%sub3A_220, %add3A_223], %broadcast_in_dim3A_3 masked %ge3A_214 : memref<16x512xf32, #tpu.memory_space<vmem>>[vector<16xi32>, vector<16xi32>], vector<16xf32>, vector<16xi1>
    %get3A_224 = arith.constant 256 : index
    %get3A_225 = tpu.vector_load %arg5[%get3A_224] {strides = array<i32>} : memref<512xi32, #tpu.memory_space<vmem>>, vector<16xi32>,
    %ge3A_226 = arith.constant 984 : i32
    %ge3A_227 = vector.broadcast %ge3A_226 : i32 to vector<16xi32>
    %ge3A_228 = arith.cmpi sge, %get3A_225, %ge3A_227 : vector<16xi32>
    %max3A_229 = arith.constant 984 : i32
    %max3A_230 = vector.broadcast %max3A_229 : i32 to vector<16xi32>
    %max3A_231 = arith.maxsi %get3A_225, %max3A_230 : vector<16xi32>
    %sub3A_232 = arith.constant 984 : i32
    %sub3A_233 = vector.broadcast %sub3A_232 : i32 to vector<16xi32>
    %sub3A_234 = arith.subi %max3A_231, %sub3A_233 : vector<16xi32>
    %add3A_235 = arith.constant 256 : i32
    %add3A_236 = vector.broadcast %add3A_235 : i32 to vector<16xi32>
    %add3A_237 = arith.addi %iota3A, %add3A_236 : vector<16xi32>
    tpu.vector_store_idx %arg6[%sub3A_234, %add3A_237], %broadcast_in_dim3A_3 masked %ge3A_228 : memref<16x512xf32, #tpu.memory_space<vmem>>[vector<16xi32>, vector<16xi32>], vector<16xf32>, vector<16xi1>
    %get3A_238 = arith.constant 272 : index
    %get3A_239 = tpu.vector_load %arg5[%get3A_238] {strides = array<i32>} : memref<512xi32, #tpu.memory_space<vmem>>, vector<16xi32>,
    %ge3A_240 = arith.constant 984 : i32
    %ge3A_241 = vector.broadcast %ge3A_240 : i32 to vector<16xi32>
    %ge3A_242 = arith.cmpi sge, %get3A_239, %ge3A_241 : vector<16xi32>
    %max3A_243 = arith.constant 984 : i32
    %max3A_244 = vector.broadcast %max3A_243 : i32 to vector<16xi32>
    %max3A_245 = arith.maxsi %get3A_239, %max3A_244 : vector<16xi32>
    %sub3A_246 = arith.constant 984 : i32
    %sub3A_247 = vector.broadcast %sub3A_246 : i32 to vector<16xi32>
    %sub3A_248 = arith.subi %max3A_245, %sub3A_247 : vector<16xi32>
    %add3A_249 = arith.constant 272 : i32
    %add3A_250 = vector.broadcast %add3A_249 : i32 to vector<16xi32>
    %add3A_251 = arith.addi %iota3A, %add3A_250 : vector<16xi32>
    tpu.vector_store_idx %arg6[%sub3A_248, %add3A_251], %broadcast_in_dim3A_3 masked %ge3A_242 : memref<16x512xf32, #tpu.memory_space<vmem>>[vector<16xi32>, vector<16xi32>], vector<16xf32>, vector<16xi1>
    %get3A_252 = arith.constant 288 : index
    %get3A_253 = tpu.vector_load %arg5[%get3A_252] {strides = array<i32>} : memref<512xi32, #tpu.memory_space<vmem>>, vector<16xi32>,
    %ge3A_254 = arith.constant 984 : i32
    %ge3A_255 = vector.broadcast %ge3A_254 : i32 to vector<16xi32>
    %ge3A_256 = arith.cmpi sge, %get3A_253, %ge3A_255 : vector<16xi32>
    %max3A_257 = arith.constant 984 : i32
    %max3A_258 = vector.broadcast %max3A_257 : i32 to vector<16xi32>
    %max3A_259 = arith.maxsi %get3A_253, %max3A_258 : vector<16xi32>
    %sub3A_260 = arith.constant 984 : i32
    %sub3A_261 = vector.broadcast %sub3A_260 : i32 to vector<16xi32>
    %sub3A_262 = arith.subi %max3A_259, %sub3A_261 : vector<16xi32>
    %add3A_263 = arith.constant 288 : i32
    %add3A_264 = vector.broadcast %add3A_263 : i32 to vector<16xi32>
    %add3A_265 = arith.addi %iota3A, %add3A_264 : vector<16xi32>
    tpu.vector_store_idx %arg6[%sub3A_262, %add3A_265], %broadcast_in_dim3A_3 masked %ge3A_256 : memref<16x512xf32, #tpu.memory_space<vmem>>[vector<16xi32>, vector<16xi32>], vector<16xf32>, vector<16xi1>
    %get3A_266 = arith.constant 304 : index
    %get3A_267 = tpu.vector_load %arg5[%get3A_266] {strides = array<i32>} : memref<512xi32, #tpu.memory_space<vmem>>, vector<16xi32>,
    %ge3A_268 = arith.constant 984 : i32
    %ge3A_269 = vector.broadcast %ge3A_268 : i32 to vector<16xi32>
    %ge3A_270 = arith.cmpi sge, %get3A_267, %ge3A_269 : vector<16xi32>
    %max3A_271 = arith.constant 984 : i32
    %max3A_272 = vector.broadcast %max3A_271 : i32 to vector<16xi32>
    %max3A_273 = arith.maxsi %get3A_267, %max3A_272 : vector<16xi32>
    %sub3A_274 = arith.constant 984 : i32
    %sub3A_275 = vector.broadcast %sub3A_274 : i32 to vector<16xi32>
    %sub3A_276 = arith.subi %max3A_273, %sub3A_275 : vector<16xi32>
    %add3A_277 = arith.constant 304 : i32
    %add3A_278 = vector.broadcast %add3A_277 : i32 to vector<16xi32>
    %add3A_279 = arith.addi %iota3A, %add3A_278 : vector<16xi32>
    tpu.vector_store_idx %arg6[%sub3A_276, %add3A_279], %broadcast_in_dim3A_3 masked %ge3A_270 : memref<16x512xf32, #tpu.memory_space<vmem>>[vector<16xi32>, vector<16xi32>], vector<16xf32>, vector<16xi1>
    %get3A_280 = arith.constant 320 : index
    %get3A_281 = tpu.vector_load %arg5[%get3A_280] {strides = array<i32>} : memref<512xi32, #tpu.memory_space<vmem>>, vector<16xi32>,
    %ge3A_282 = arith.constant 984 : i32
    %ge3A_283 = vector.broadcast %ge3A_282 : i32 to vector<16xi32>
    %ge3A_284 = arith.cmpi sge, %get3A_281, %ge3A_283 : vector<16xi32>
    %max3A_285 = arith.constant 984 : i32
    %max3A_286 = vector.broadcast %max3A_285 : i32 to vector<16xi32>
    %max3A_287 = arith.maxsi %get3A_281, %max3A_286 : vector<16xi32>
    %sub3A_288 = arith.constant 984 : i32
    %sub3A_289 = vector.broadcast %sub3A_288 : i32 to vector<16xi32>
    %sub3A_290 = arith.subi %max3A_287, %sub3A_289 : vector<16xi32>
    %add3A_291 = arith.constant 320 : i32
    %add3A_292 = vector.broadcast %add3A_291 : i32 to vector<16xi32>
    %add3A_293 = arith.addi %iota3A, %add3A_292 : vector<16xi32>
    tpu.vector_store_idx %arg6[%sub3A_290, %add3A_293], %broadcast_in_dim3A_3 masked %ge3A_284 : memref<16x512xf32, #tpu.memory_space<vmem>>[vector<16xi32>, vector<16xi32>], vector<16xf32>, vector<16xi1>
    %get3A_294 = arith.constant 336 : index
    %get3A_295 = tpu.vector_load %arg5[%get3A_294] {strides = array<i32>} : memref<512xi32, #tpu.memory_space<vmem>>, vector<16xi32>,
    %ge3A_296 = arith.constant 984 : i32
    %ge3A_297 = vector.broadcast %ge3A_296 : i32 to vector<16xi32>
    %ge3A_298 = arith.cmpi sge, %get3A_295, %ge3A_297 : vector<16xi32>
    %max3A_299 = arith.constant 984 : i32
    %max3A_300 = vector.broadcast %max3A_299 : i32 to vector<16xi32>
    %max3A_301 = arith.maxsi %get3A_295, %max3A_300 : vector<16xi32>
    %sub3A_302 = arith.constant 984 : i32
    %sub3A_303 = vector.broadcast %sub3A_302 : i32 to vector<16xi32>
    %sub3A_304 = arith.subi %max3A_301, %sub3A_303 : vector<16xi32>
    %add3A_305 = arith.constant 336 : i32
    %add3A_306 = vector.broadcast %add3A_305 : i32 to vector<16xi32>
    %add3A_307 = arith.addi %iota3A, %add3A_306 : vector<16xi32>
    tpu.vector_store_idx %arg6[%sub3A_304, %add3A_307], %broadcast_in_dim3A_3 masked %ge3A_298 : memref<16x512xf32, #tpu.memory_space<vmem>>[vector<16xi32>, vector<16xi32>], vector<16xf32>, vector<16xi1>
    %get3A_308 = arith.constant 352 : index
    %get3A_309 = tpu.vector_load %arg5[%get3A_308] {strides = array<i32>} : memref<512xi32, #tpu.memory_space<vmem>>, vector<16xi32>,
    %ge3A_310 = arith.constant 984 : i32
    %ge3A_311 = vector.broadcast %ge3A_310 : i32 to vector<16xi32>
    %ge3A_312 = arith.cmpi sge, %get3A_309, %ge3A_311 : vector<16xi32>
    %max3A_313 = arith.constant 984 : i32
    %max3A_314 = vector.broadcast %max3A_313 : i32 to vector<16xi32>
    %max3A_315 = arith.maxsi %get3A_309, %max3A_314 : vector<16xi32>
    %sub3A_316 = arith.constant 984 : i32
    %sub3A_317 = vector.broadcast %sub3A_316 : i32 to vector<16xi32>
    %sub3A_318 = arith.subi %max3A_315, %sub3A_317 : vector<16xi32>
    %add3A_319 = arith.constant 352 : i32
    %add3A_320 = vector.broadcast %add3A_319 : i32 to vector<16xi32>
    %add3A_321 = arith.addi %iota3A, %add3A_320 : vector<16xi32>
    tpu.vector_store_idx %arg6[%sub3A_318, %add3A_321], %broadcast_in_dim3A_3 masked %ge3A_312 : memref<16x512xf32, #tpu.memory_space<vmem>>[vector<16xi32>, vector<16xi32>], vector<16xf32>, vector<16xi1>
    %get3A_322 = arith.constant 368 : index
    %get3A_323 = tpu.vector_load %arg5[%get3A_322] {strides = array<i32>} : memref<512xi32, #tpu.memory_space<vmem>>, vector<16xi32>,
    %ge3A_324 = arith.constant 984 : i32
    %ge3A_325 = vector.broadcast %ge3A_324 : i32 to vector<16xi32>
    %ge3A_326 = arith.cmpi sge, %get3A_323, %ge3A_325 : vector<16xi32>
    %max3A_327 = arith.constant 984 : i32
    %max3A_328 = vector.broadcast %max3A_327 : i32 to vector<16xi32>
    %max3A_329 = arith.maxsi %get3A_323, %max3A_328 : vector<16xi32>
    %sub3A_330 = arith.constant 984 : i32
    %sub3A_331 = vector.broadcast %sub3A_330 : i32 to vector<16xi32>
    %sub3A_332 = arith.subi %max3A_329, %sub3A_331 : vector<16xi32>
    %add3A_333 = arith.constant 368 : i32
    %add3A_334 = vector.broadcast %add3A_333 : i32 to vector<16xi32>
    %add3A_335 = arith.addi %iota3A, %add3A_334 : vector<16xi32>
    tpu.vector_store_idx %arg6[%sub3A_332, %add3A_335], %broadcast_in_dim3A_3 masked %ge3A_326 : memref<16x512xf32, #tpu.memory_space<vmem>>[vector<16xi32>, vector<16xi32>], vector<16xf32>, vector<16xi1>
    %get3A_336 = arith.constant 384 : index
    %get3A_337 = tpu.vector_load %arg5[%get3A_336] {strides = array<i32>} : memref<512xi32, #tpu.memory_space<vmem>>, vector<16xi32>,
    %ge3A_338 = arith.constant 984 : i32
    %ge3A_339 = vector.broadcast %ge3A_338 : i32 to vector<16xi32>
    %ge3A_340 = arith.cmpi sge, %get3A_337, %ge3A_339 : vector<16xi32>
    %max3A_341 = arith.constant 984 : i32
    %max3A_342 = vector.broadcast %max3A_341 : i32 to vector<16xi32>
    %max3A_343 = arith.maxsi %get3A_337, %max3A_342 : vector<16xi32>
    %sub3A_344 = arith.constant 984 : i32
    %sub3A_345 = vector.broadcast %sub3A_344 : i32 to vector<16xi32>
    %sub3A_346 = arith.subi %max3A_343, %sub3A_345 : vector<16xi32>
    %add3A_347 = arith.constant 384 : i32
    %add3A_348 = vector.broadcast %add3A_347 : i32 to vector<16xi32>
    %add3A_349 = arith.addi %iota3A, %add3A_348 : vector<16xi32>
    tpu.vector_store_idx %arg6[%sub3A_346, %add3A_349], %broadcast_in_dim3A_3 masked %ge3A_340 : memref<16x512xf32, #tpu.memory_space<vmem>>[vector<16xi32>, vector<16xi32>], vector<16xf32>, vector<16xi1>
    %get3A_350 = arith.constant 400 : index
    %get3A_351 = tpu.vector_load %arg5[%get3A_350] {strides = array<i32>} : memref<512xi32, #tpu.memory_space<vmem>>, vector<16xi32>,
    %ge3A_352 = arith.constant 984 : i32
    %ge3A_353 = vector.broadcast %ge3A_352 : i32 to vector<16xi32>
    %ge3A_354 = arith.cmpi sge, %get3A_351, %ge3A_353 : vector<16xi32>
    %max3A_355 = arith.constant 984 : i32
    %max3A_356 = vector.broadcast %max3A_355 : i32 to vector<16xi32>
    %max3A_357 = arith.maxsi %get3A_351, %max3A_356 : vector<16xi32>
    %sub3A_358 = arith.constant 984 : i32
    %sub3A_359 = vector.broadcast %sub3A_358 : i32 to vector<16xi32>
    %sub3A_360 = arith.subi %max3A_357, %sub3A_359 : vector<16xi32>
    %add3A_361 = arith.constant 400 : i32
    %add3A_362 = vector.broadcast %add3A_361 : i32 to vector<16xi32>
    %add3A_363 = arith.addi %iota3A, %add3A_362 : vector<16xi32>
    tpu.vector_store_idx %arg6[%sub3A_360, %add3A_363], %broadcast_in_dim3A_3 masked %ge3A_354 : memref<16x512xf32, #tpu.memory_space<vmem>>[vector<16xi32>, vector<16xi32>], vector<16xf32>, vector<16xi1>
    %get3A_364 = arith.constant 416 : index
    %get3A_365 = tpu.vector_load %arg5[%get3A_364] {strides = array<i32>} : memref<512xi32, #tpu.memory_space<vmem>>, vector<16xi32>,
    %ge3A_366 = arith.constant 984 : i32
    %ge3A_367 = vector.broadcast %ge3A_366 : i32 to vector<16xi32>
    %ge3A_368 = arith.cmpi sge, %get3A_365, %ge3A_367 : vector<16xi32>
    %max3A_369 = arith.constant 984 : i32
    %max3A_370 = vector.broadcast %max3A_369 : i32 to vector<16xi32>
    %max3A_371 = arith.maxsi %get3A_365, %max3A_370 : vector<16xi32>
    %sub3A_372 = arith.constant 984 : i32
    %sub3A_373 = vector.broadcast %sub3A_372 : i32 to vector<16xi32>
    %sub3A_374 = arith.subi %max3A_371, %sub3A_373 : vector<16xi32>
    %add3A_375 = arith.constant 416 : i32
    %add3A_376 = vector.broadcast %add3A_375 : i32 to vector<16xi32>
    %add3A_377 = arith.addi %iota3A, %add3A_376 : vector<16xi32>
    tpu.vector_store_idx %arg6[%sub3A_374, %add3A_377], %broadcast_in_dim3A_3 masked %ge3A_368 : memref<16x512xf32, #tpu.memory_space<vmem>>[vector<16xi32>, vector<16xi32>], vector<16xf32>, vector<16xi1>
    %get3A_378 = arith.constant 432 : index
    %get3A_379 = tpu.vector_load %arg5[%get3A_378] {strides = array<i32>} : memref<512xi32, #tpu.memory_space<vmem>>, vector<16xi32>,
    %ge3A_380 = arith.constant 984 : i32
    %ge3A_381 = vector.broadcast %ge3A_380 : i32 to vector<16xi32>
    %ge3A_382 = arith.cmpi sge, %get3A_379, %ge3A_381 : vector<16xi32>
    %max3A_383 = arith.constant 984 : i32
    %max3A_384 = vector.broadcast %max3A_383 : i32 to vector<16xi32>
    %max3A_385 = arith.maxsi %get3A_379, %max3A_384 : vector<16xi32>
    %sub3A_386 = arith.constant 984 : i32
    %sub3A_387 = vector.broadcast %sub3A_386 : i32 to vector<16xi32>
    %sub3A_388 = arith.subi %max3A_385, %sub3A_387 : vector<16xi32>
    %add3A_389 = arith.constant 432 : i32
    %add3A_390 = vector.broadcast %add3A_389 : i32 to vector<16xi32>
    %add3A_391 = arith.addi %iota3A, %add3A_390 : vector<16xi32>
    tpu.vector_store_idx %arg6[%sub3A_388, %add3A_391], %broadcast_in_dim3A_3 masked %ge3A_382 : memref<16x512xf32, #tpu.memory_space<vmem>>[vector<16xi32>, vector<16xi32>], vector<16xf32>, vector<16xi1>
    %get3A_392 = arith.constant 448 : index
    %get3A_393 = tpu.vector_load %arg5[%get3A_392] {strides = array<i32>} : memref<512xi32, #tpu.memory_space<vmem>>, vector<16xi32>,
    %ge3A_394 = arith.constant 984 : i32
    %ge3A_395 = vector.broadcast %ge3A_394 : i32 to vector<16xi32>
    %ge3A_396 = arith.cmpi sge, %get3A_393, %ge3A_395 : vector<16xi32>
    %max3A_397 = arith.constant 984 : i32
    %max3A_398 = vector.broadcast %max3A_397 : i32 to vector<16xi32>
    %max3A_399 = arith.maxsi %get3A_393, %max3A_398 : vector<16xi32>
    %sub3A_400 = arith.constant 984 : i32
    %sub3A_401 = vector.broadcast %sub3A_400 : i32 to vector<16xi32>
    %sub3A_402 = arith.subi %max3A_399, %sub3A_401 : vector<16xi32>
    %add3A_403 = arith.constant 448 : i32
    %add3A_404 = vector.broadcast %add3A_403 : i32 to vector<16xi32>
    %add3A_405 = arith.addi %iota3A, %add3A_404 : vector<16xi32>
    tpu.vector_store_idx %arg6[%sub3A_402, %add3A_405], %broadcast_in_dim3A_3 masked %ge3A_396 : memref<16x512xf32, #tpu.memory_space<vmem>>[vector<16xi32>, vector<16xi32>], vector<16xf32>, vector<16xi1>
    %get3A_406 = arith.constant 464 : index
    %get3A_407 = tpu.vector_load %arg5[%get3A_406] {strides = array<i32>} : memref<512xi32, #tpu.memory_space<vmem>>, vector<16xi32>,
    %ge3A_408 = arith.constant 984 : i32
    %ge3A_409 = vector.broadcast %ge3A_408 : i32 to vector<16xi32>
    %ge3A_410 = arith.cmpi sge, %get3A_407, %ge3A_409 : vector<16xi32>
    %max3A_411 = arith.constant 984 : i32
    %max3A_412 = vector.broadcast %max3A_411 : i32 to vector<16xi32>
    %max3A_413 = arith.maxsi %get3A_407, %max3A_412 : vector<16xi32>
    %sub3A_414 = arith.constant 984 : i32
    %sub3A_415 = vector.broadcast %sub3A_414 : i32 to vector<16xi32>
    %sub3A_416 = arith.subi %max3A_413, %sub3A_415 : vector<16xi32>
    %add3A_417 = arith.constant 464 : i32
    %add3A_418 = vector.broadcast %add3A_417 : i32 to vector<16xi32>
    %add3A_419 = arith.addi %iota3A, %add3A_418 : vector<16xi32>
    tpu.vector_store_idx %arg6[%sub3A_416, %add3A_419], %broadcast_in_dim3A_3 masked %ge3A_410 : memref<16x512xf32, #tpu.memory_space<vmem>>[vector<16xi32>, vector<16xi32>], vector<16xf32>, vector<16xi1>
    %get3A_420 = arith.constant 480 : index
    %get3A_421 = tpu.vector_load %arg5[%get3A_420] {strides = array<i32>} : memref<512xi32, #tpu.memory_space<vmem>>, vector<16xi32>,
    %ge3A_422 = arith.constant 984 : i32
    %ge3A_423 = vector.broadcast %ge3A_422 : i32 to vector<16xi32>
    %ge3A_424 = arith.cmpi sge, %get3A_421, %ge3A_423 : vector<16xi32>
    %max3A_425 = arith.constant 984 : i32
    %max3A_426 = vector.broadcast %max3A_425 : i32 to vector<16xi32>
    %max3A_427 = arith.maxsi %get3A_421, %max3A_426 : vector<16xi32>
    %sub3A_428 = arith.constant 984 : i32
    %sub3A_429 = vector.broadcast %sub3A_428 : i32 to vector<16xi32>
    %sub3A_430 = arith.subi %max3A_427, %sub3A_429 : vector<16xi32>
    %add3A_431 = arith.constant 480 : i32
    %add3A_432 = vector.broadcast %add3A_431 : i32 to vector<16xi32>
    %add3A_433 = arith.addi %iota3A, %add3A_432 : vector<16xi32>
    tpu.vector_store_idx %arg6[%sub3A_430, %add3A_433], %broadcast_in_dim3A_3 masked %ge3A_424 : memref<16x512xf32, #tpu.memory_space<vmem>>[vector<16xi32>, vector<16xi32>], vector<16xf32>, vector<16xi1>
    %get3A_434 = arith.constant 496 : index
    %get3A_435 = tpu.vector_load %arg5[%get3A_434] {strides = array<i32>} : memref<512xi32, #tpu.memory_space<vmem>>, vector<16xi32>,
    %ge3A_436 = arith.constant 984 : i32
    %ge3A_437 = vector.broadcast %ge3A_436 : i32 to vector<16xi32>
    %ge3A_438 = arith.cmpi sge, %get3A_435, %ge3A_437 : vector<16xi32>
    %max3A_439 = arith.constant 984 : i32
    %max3A_440 = vector.broadcast %max3A_439 : i32 to vector<16xi32>
    %max3A_441 = arith.maxsi %get3A_435, %max3A_440 : vector<16xi32>
    %sub3A_442 = arith.constant 984 : i32
    %sub3A_443 = vector.broadcast %sub3A_442 : i32 to vector<16xi32>
    %sub3A_444 = arith.subi %max3A_441, %sub3A_443 : vector<16xi32>
    %add3A_445 = arith.constant 496 : i32
    %add3A_446 = vector.broadcast %add3A_445 : i32 to vector<16xi32>
    %add3A_447 = arith.addi %iota3A, %add3A_446 : vector<16xi32>
    tpu.vector_store_idx %arg6[%sub3A_444, %add3A_447], %broadcast_in_dim3A_3 masked %ge3A_438 : memref<16x512xf32, #tpu.memory_space<vmem>>[vector<16xi32>, vector<16xi32>], vector<16xf32>, vector<16xi1>
    "tpu.region"() ({
      %run_scoped3A = tpu.sem_alloc : memref<!tpu.dma_semaphore, #tpu.memory_space<semaphore_mem>>
      %dma_start3A = arith.constant 0 : i32
      %dma_start3A_448 = tpu.memref_slice %arg4[%dma_start3A, %mul3A_2] : memref<16x16384xf32, #tpu.memory_space<hbm>> -> memref<16x512xf32, #tpu.memory_space<hbm>>
      %dma_start3A_449 = arith.constant 0 : i32
      %dma_start3A_450 = tpu.memref_slice %arg4[%dma_start3A_449, %mul3A_2] : memref<16x16384xf32, #tpu.memory_space<hbm>> -> memref<16x512xf32, #tpu.memory_space<hbm>>
      tpu.enqueue_dma source(%arg6 : memref<16x512xf32, #tpu.memory_space<vmem>>) target(%dma_start3A_450 : memref<16x512xf32, #tpu.memory_space<hbm>>) target_semaphore(%run_scoped3A : memref<!tpu.dma_semaphore, #tpu.memory_space<semaphore_mem>>)
      %dma_wait3A = arith.constant 0 : i32
      %dma_wait3A_451 = tpu.memref_slice %arg4[%dma_wait3A, %mul3A_2] : memref<16x16384xf32, #tpu.memory_space<hbm>> -> memref<16x512xf32, #tpu.memory_space<hbm>>
      %dma_wait3A_452 = arith.constant 0 : i32
      %dma_wait3A_453 = tpu.memref_slice %arg4[%dma_wait3A_452, %mul3A_2] : memref<16x16384xf32, #tpu.memory_space<hbm>> -> memref<16x512xf32, #tpu.memory_space<hbm>>
      tpu.wait_dma2 semaphore(%run_scoped3A : memref<!tpu.dma_semaphore, #tpu.memory_space<semaphore_mem>>) src(%arg6 : memref<16x512xf32, #tpu.memory_space<vmem>>) dst(%dma_wait3A_453 : memref<16x512xf32, #tpu.memory_space<hbm>>)
      tpu.yield
    }) : () -> ()
    return
  }
}

module attributes {stable_mosaic.version = 14 : i64} {
  func.func @_tc_body(%arg0: i32, %arg1: memref<1x1x1024xi32, #tpu.memory_space<vmem>>, %arg2: memref<984x1024xf32, #tpu.memory_space<vmem>>) attributes {dimension_semantics = [#tpu.dimension_semantics<arbitrary>], iteration_bounds = array<i64: 16>, scalar_prefetch = 0 : i64, scratch_operands = 0 : i64, tpu.core_type = #tpu.core_type<tc>, window_params = [{transform_indices = @transform_0, window_bounds = array<i64: 1, 1, 1024>}, {transform_indices = @transform_1, window_bounds = array<i64: 984, 1024>}]} {
    %get3A = arith.constant 0 : index
    %get3A_0 = arith.constant 0 : index
    %get3A_1 = arith.constant 0 : index
    %get3A_2 = vector.load %arg1[%get3A, %get3A_0, %get3A_1] : memref<1x1x1024xi32, #tpu.memory_space<vmem>>, vector<1x1x1024xi32>
    %get3A_3 = vector.shape_cast %get3A_2 : vector<1x1x1024xi32> to vector<1024xi32>
    %iota3A = tpu.iota {dimensions = array<i32: 0>} : vector<984x1024xi32>
    %broadcast_in_dim3A = vector.shape_cast %get3A_3 : vector<1024xi32> to vector<1x1024xi32>
    %eq3A = vector.broadcast %broadcast_in_dim3A : vector<1x1024xi32> to vector<984x1024xi32>
    %eq3A_4 = arith.cmpi eq, %iota3A, %eq3A : vector<984x1024xi32>
    %jit3A = arith.constant 9.001000e-01 : f32
    %jit3A_5 = arith.constant 9.99999974E-5 : f32
    %broadcast_in_dim3A_6 = vector.broadcast %jit3A : f32 to vector<984x1024xf32>
    %broadcast_in_dim3A_7 = vector.broadcast %jit3A_5 : f32 to vector<984x1024xf32>
    %select_n3A = arith.select %eq3A_4, %broadcast_in_dim3A_6, %broadcast_in_dim3A_7 : vector<984x1024xi1>, vector<984x1024xf32>
    %swap3A = arith.constant 0 : index
    %swap3A_8 = arith.constant 0 : index
    %swap3A_9 = vector.load %arg2[%swap3A, %swap3A_8] : memref<984x1024xf32, #tpu.memory_space<vmem>>, vector<984x1024xf32>
    tpu.vector_store %arg2[%swap3A, %swap3A_8], %select_n3A {strides = array<i32>} : memref<984x1024xf32, #tpu.memory_space<vmem>>, vector<984x1024xf32>,
    return
  }
  func.func @transform_0(%arg0: i32) -> (i32, i32, i32) {
    %c0_i32 = arith.constant 0 : i32
    %c0_i32_0 = arith.constant 0 : i32
    %c0_i32_1 = arith.constant 0 : i32
    return %arg0, %c0_i32, %c0_i32_0 : i32, i32, i32
  }
  func.func @transform_1(%arg0: i32) -> (i32, i32) {
    %c0_i32 = arith.constant 0 : i32
    %c0_i32_0 = arith.constant 0 : i32
    return %c0_i32, %arg0 : i32, i32
  }
}

</mosaic_0001>

<sc_bundles>
// kernel: kernel.4.cloned.1.call-start
scs
__scs_entry_jumppad:
0x0: {  	(pc) =	sbr.rel $0x88, $3  }
0x1: {  	(tag) =	ssettag $0x0;
	lr =	simm.s32 $0x1  }
0x2: {  	[smem:$0x3FA0] =	sst lr;
	_ =	strace $0xD0000000  }
0x3: {  	_ = 	snop  }
0x4: {  	_ = 	snop  }
0x5: {  	_ = 	snop  }
0x6: {  	_ = 	snop  }
0x7: {  	_ = 	snop  }
__scs_overlays_trampoline_lowered:
0x8: {  	[smem:$0x3FAF] =	sst s0  }
0x9: {  	[smem:$0x3FB0] =	sst s1  }
0xa: {  	[smem:$0x3FB1] =	sst s2  }
0xb: {  	[smem:$0x3FB2] =	sst s3  }
0xc: {  	[smem:$0x3FB3] =	sst s4  }
0xd: {  	[smem:$0x3FB4] =	sst s5  }
0xe: {  	[smem:$0x3FB5] =	sst s6  }
0xf: {  	[smem:$0x3FB6] =	sst s7  }
0x10: {  	[smem:$0x3FB7] =	sst s8  }
0x11: {  	[smem:$0x3FB8] =	sst s9;
	s0 =	simm.s32 @!p0 $0x0  }
0x12: {  	s1 =	sld [smem:$0x3F9E];
	s0 =	simm.s32 @p0 $0x1  }
0x13: {  	[smem:$0x3FB9] =	sst s0;
	s0 =	simm.s32 @!p1 $0x0  }
0x14: {  	s2 =	sld [smem:$0x3F9D];
	s0 =	simm.s32 @p1 $0x1  }
0x15: {  	[smem:$0x3FBA] =	sst s0;
	s0 =	simm.s32 @!p2 $0x0  }
0x16: {  	s3 =	sld [smem:$0x3FDB];
	s0 =	simm.s32 @p2 $0x1  }
0x17: {  	s4 =	simm.s32 $0x1BF5;
	[smem:$0x3FBC] =	sst s0  }
0x18: {  	s0 =	sld [smem:$0x3F9F];
	_ =	swait.ge [sflag:s4], $0x0  }
0x19: {  	s7 =	sld [smem:$0x3FA0]  }
0x1a: {  	s8 =	sadd.s32 $0xFFFFE003, lr  }
0x1b: {  	s9 =	sadd.s32 $0xFFFFFEF7, lr;
	s5 =	simm.s32 $0xFFFFFFFF;
	p2 =	slt.u32 s8, $0xFFFFF086  }
0x1c: {  	p1 =	slt.u32 s9, $0xF7A;
	s5 =	simm.s32 @!p2 $0x0  }
0x1d: {  	s5 =	simm.s32 @p1 $0x1;
	p0 =	seq.s32 s7, s2  }
0x1e: {  	s7 =	smul.u32 @!p0 $0xF7A, s2;
	p2 =	seq.s32 @!p0 s5, $0x0  }
0x1f: {  	s9 =	smul.u32 $0xF7A, s1;
	s8 =	simm.s32 @!p0 $0x1BF5;
	p2 =	por !p2, p0  }
0x20: {  	[sflag:s8] =	ssyncset.s32 @!p0 $0xFFFFF086;
	s6 =	sadd.s32 @!p0 s3, s7;
	s7 =	simm.s32 @!p0 $0x108  }
0x21: {  	s3 =	sadd.s32 s3, s9;
	s6 =	sadd.s32 @!p0 $0x88, s6;
	s7 =	simm.s32 @p2 $0x1082  }
0x22: {  	[simem:s7], [sflag:s8] =	dma.local @!p0 [hbm:s6], $0xF7A  }
0x23: {  	s9 =	sor.u32 $0xD0000000, s2;
	s6 =	simm.s32 $0x108;
	_ =	swait.ge @!p0 [sflag:s8], $0x0  }
0x24: {  	s3 =	sadd.s32 $0x88, s3;
	s6 =	simm.s32 @!p1 $0x1082;
	[sflag:s4] =	ssyncset.s32 $0xFFFFF086  }
0x25: {  	[simem:s6], [sflag:s4] =	dma.local [hbm:s3], $0xF7A  }
0x26: {  	[smem:$0x3FA0] =	sst s1;
	(tag) =	ssettag s2;
	_ =	strace s9  }
0x27: {  	s1 =	sld [smem:$0x3FB0]  }
0x28: {  	s2 =	sld [smem:$0x3FB1]  }
0x29: {  	s4 =	sld [smem:$0x3FB3]  }
0x2a: {  	p0 =	seq.s32 s5, $0x0;
	s5 =	sld [smem:$0x3FB4]  }
0x2b: {  	s6 =	sld [smem:$0x3FB5]  }
0x2c: {  	s7 =	sld [smem:$0x3FB6]  }
0x2d: {  	s3 =	simm.s32 $0x108;
	s8 =	sld [smem:$0x3FB7]  }
0x2e: {  	s3 =	simm.s32 @!p0 $0x1082;
	s9 =	sld [smem:$0x3FB8]  }
0x2f: {  	lr =	sadd.s32 s0, s3;
	s0 =	sld [smem:$0x3FAF]  }
0x30: {  	s3 =	sld [smem:$0x3FB2]  }
0x31: {  	[smem:$0x3FBB] =	sst s10  }
0x32: {  	s10 =	sld [smem:$0x3FB9];
	_ =	sdelay $0x3  }
0x33: {  	p0 =	seq.s32 s10, $0x1;
	s10 =	sld [smem:$0x3FBB];
	_ =	sdelay $0x3  }
0x34: {  	[smem:$0x3FBB] =	sst s10  }
0x35: {  	s10 =	sld [smem:$0x3FBA];
	_ =	sdelay $0x3  }
0x36: {  	p1 =	seq.s32 s10, $0x1;
	s10 =	sld [smem:$0x3FBB];
	_ =	sdelay $0x3  }
0x37: {  	[smem:$0x3FBB] =	sst s10  }
0x38: {  	s10 =	sld [smem:$0x3FBC]  }
0x39: {  	_ = 	snop;
	(pc) =	sbr.ind lr, $3  }
0x3a: {  	_ = 	snop  }
0x3b: {  	_ = 	snop  }
0x3c: {  	p2 =	seq.s32 s10, $0x1;
	s10 =	sld [smem:$0x3FBB]  }
0x3d: {  	_ =	shalt  }
0x3e: {  	_ =	shalt  }
0x3f: {  	_ =	shalt  }
0x40: {  	_ =	shalt  }
0x41: {  	_ =	shalt  }
0x42: {  	_ =	shalt  }
0x43: {  	_ =	shalt  }
0x44: {  	_ =	shalt  }
0x45: {  	_ =	shalt  }
0x46: {  	_ =	shalt  }
0x47: {  	_ =	shalt  }
0x48: {  	_ =	shalt  }
0x49: {  	_ =	shalt  }
0x4a: {  	_ =	shalt  }
0x4b: {  	_ =	shalt  }
0x4c: {  	_ =	shalt  }
0x4d: {  	_ =	shalt  }
0x4e: {  	_ =	shalt  }
0x4f: {  	_ =	shalt  }
0x50: {  	_ =	shalt  }
0x51: {  	_ =	shalt  }
0x52: {  	_ =	shalt  }
0x53: {  	_ =	shalt  }
0x54: {  	_ =	shalt  }
0x55: {  	_ =	shalt  }
0x56: {  	_ =	shalt  }
0x57: {  	_ =	shalt  }
0x58: {  	_ =	shalt  }
0x59: {  	_ =	shalt  }
0x5a: {  	_ =	shalt  }
0x5b: {  	_ =	shalt  }
0x5c: {  	_ =	shalt  }
0x5d: {  	_ =	shalt  }
0x5e: {  	_ =	shalt  }
0x5f: {  	_ =	shalt  }
0x60: {  	_ =	shalt  }
0x61: {  	_ =	shalt  }
0x62: {  	_ =	shalt  }
0x63: {  	_ =	shalt  }
0x64: {  	_ =	shalt  }
0x65: {  	_ =	shalt  }
0x66: {  	_ =	shalt  }
0x67: {  	_ =	shalt  }
0x68: {  	_ =	shalt  }
0x69: {  	_ =	shalt  }
0x6a: {  	_ =	shalt  }
0x6b: {  	_ =	shalt  }
0x6c: {  	_ =	shalt  }
0x6d: {  	_ =	shalt  }
0x6e: {  	_ =	shalt  }
0x6f: {  	_ =	shalt  }
0x70: {  	_ =	shalt  }
0x71: {  	_ =	shalt  }
0x72: {  	_ =	shalt  }
0x73: {  	_ =	shalt  }
0x74: {  	_ =	shalt  }
0x75: {  	_ =	shalt  }
0x76: {  	_ =	shalt  }
0x77: {  	_ =	shalt  }
0x78: {  	_ =	shalt  }
0x79: {  	_ =	shalt  }
0x7a: {  	_ =	shalt  }
0x7b: {  	_ =	shalt  }
0x7c: {  	_ =	shalt  }
0x7d: {  	_ =	shalt  }
0x7e: {  	_ =	shalt  }
0x7f: {  	_ =	shalt  }
0x80: {  	_ =	shalt  }
0x81: {  	_ =	shalt  }
0x82: {  	_ =	shalt  }
0x83: {  	_ =	shalt  }
0x84: {  	_ =	shalt  }
0x85: {  	_ =	shalt  }
0x86: {  	_ =	shalt  }
0x87: {  	_ =	shalt  }
.Lfunc_end0:
.L_simem_size_0:
called_computation_lowered:
.L_overlay_start_0:
0x88: {  	s2 =	sld [smem:$0x3FD9]  }
0x89: {  	s3 =	sld [smem:$0x3FFE];
	_ =	sdelay $0x1  }
0x8a: {  	s1 =	srdreg.scid  }
0x8b: {  	s0 =	sand.u32 $0x1, s1  }
0x8c: {  	s17 =	sshll.u32 s0, $0xA;
	s2 =	sadd.s32 s3, s2  }
0x8d: {  	s2 =	sadd.s32 s2, s17  }
0x8e: {  	[smem:$0x3FC7] =	sst s2  }
0x8f: {  	_ = 	snop  }
0x90: {  	s2 =	sld [smem:$0x3FC9];
	(tm) =	ssettm $0x1  }
0x91: {  	s18 =	sld [smem:$0x3FFB];
	_ =	sdelay $0x3  }
0x92: {  	_ =	strace s18  }
0x93: {  	s3 =	sld [smem:$0x3FFC];
	_ =	sdelay $0x3  }
0x94: {  	_ =	strace s3  }
0x95: {  	s3 =	sld [smem:$0x3FFD];
	_ =	sdelay $0x3  }
0x96: {  	_ =	strace s3  }
0x97: {  	_ =	strace $0x8FFFFFFF  }
0x98: {  	s19 =	sld [smem:$0x3FDB];
	_ =	sdelay $0x1  }
0x99: {  	s4 =	simm.s32 $_scs_section_size  }
0x9a: {  	s5 =	simm.s32 $_size__tile_overlayer_lowered;
	s6 =	simm.s32 $_tile_overlayer_lowered  }
0x9b: {  	s22 =	simm.s32 $0x1BFF;
	s21 =	sshll.u32 s6, $0x1;
	s3 =	sadd.s32 s4, s19  }
0x9c: {  	s7 =	simm.s32 $0x0;
	s20 =	sshll.u32 s5, $0x1;
	s5 =	sadd.s32 s21, s3  }
0x9d: {  	[timem:s7], [sflag:s22] =	dma.local [hbm:s5], s20  }
0x9e: {  	_ =	swait.ge [sflag:s22], s20  }
0x9f: {  	s4 =	ssub.s32 $0x0, s20;
	[sflag:s22] =	ssyncset.done $0x0  }
0xa0: {  	[sflag:s22] =	ssyncadd.s32 s4;
	_ =	sdelay $0x1  }
0xa1: {  	s23 =	simm.s32 $0x1B8B  }
0xa2: {  	_ =	swait.ge [sflag:s23], $0x1  }
0xa3: {  	[sflag:s23] =	ssyncset.done $0x0  }
0xa4: {  	s25 =	simm.s32 $0x1B8E;
	s24 =	sld [smem:$0x3FFE];
	[sflag:s23] =	ssyncadd.s32 $0xFFFFFFFF  }
0xa5: {  	s26 =	simm.s32 $execute0_lowered;
	[smem:$0x3FD2] =	sst s25  }
0xa6: {  	s5 =	sshll.u32 s26, $0x1;
	_ =	strace $0x80000046;
	[dreg:$0x1] =	wrdreg $0xFFFFFFFF  }
0xa7: {  	s28 =	simm.s32 $_size_execute0_lowered;
	s3 =	sadd.s32 s3, s5;
	[dreg:$0x0] =	wrdreg $0x0  }
0xa8: {  	s5 =	sshll.u32 s28, $0x1;
	[dreg:$0x2] =	wrdreg s3  }
0xa9: {  	[dreg:$0x3] =	wrdreg s5  }
0xaa: {  	[dreg:$0x4] =	wrdreg $0xC0  }
0xab: {  	_ =	task [dreg:s7], $0x5FFFF  }
0xac: {  	[dreg:$0x1] =	wrdreg $0xFFFFFFFF  }
0xad: {  	[dreg:$0x0] =	wrdreg $0x60  }
0xae: {  	[dreg:$0x2] =	wrdreg s2  }
0xaf: {  	[dreg:$0x3] =	wrdreg s24  }
0xb0: {  	[dreg:$0x4] =	wrdreg $0x9  }
0xb1: {  	_ =	task.clear_ibuf [dreg:s7], $0x5FFFF;
	_ =	strace $0x90000046  }
0xb2: {  	s29 =	simm.s32 $0x9;
	_ =	strace $0x80000048  }
0xb3: {  	_ =	swait.ge [sflag:s29], $0x1  }
0xb4: {  	[sflag:s29] =	ssyncadd.s32 $0xFFFFFFFF  }
0xb5: {  	_ =	strace $0x90000048  }
0xb6: {  	_ =	sfence  }
0xb7: {  	s30 =	sld [smem:$0x0];
	_ =	sdelay $0x2  }
0xb8: {  	s31 =	sshll.u32 s1, $0xD;
	s1 =	sshrl.u32 s1, $0x2  }
0xb9: {  	s3 =	sand.u32 $0x4000, s31;
	s1 =	sadd.s32 s1, s30  }
0xba: {  	s0 =	sor.u32 s3, s0;
	s1 =	sshll.u32 s1, $0x11  }
0xbb: {  	s0 =	sor.u32 s1, s0  }
0xbc: {  	s0 =	sadd.s32 $0x8F2B, s0  }
0xbd: {  	[sflag:s0] =	ssyncadd.remote.s32 $0x1  }
0xbe: {  	_ =	sfence.sel $0xFFFF  }
0xbf: {  	[dreg:$0x0] =	wrdreg $0xFFFFFFFF;
	(pc) =	sbr.abs _section_cstart, $3  }
0xc0: {  	[dreg:$0x1] =	wrdreg $0xFFFFFFFF  }
0xc1: {  	_ =	task.clear_ibuf [dreg:s7], $0x2FFFF;
	_ =	strace $0x9FFFFFFF  }
0xc2: {  	(tm) =	ssettm $0x7FFFFFFF  }
0xc3: {  	_ =	shalt  }
tec
execute0_lowered:
.L_overlay_start_1:
0x0: {  	(tag) =	ssettag $0x1  }
0x1: {  	v0 =	vlaneseq.u32  }
0x2: {  	v1 =	vimm.f32 $9.000999930e-01;
	v2 =	vor.u32 $0x10, v0  }
0x3: {  	s4 =	rddreg [dreg:$0x0];
	v3 =	vor.u32 $0x20, v0;
	v4 =	vor.u32 $0x30, v0;
	v5 =	vor.u32 $0x40, v0  }
0x4: {  	s5 =	rddreg [dreg:$0x1];
	v6 =	vor.u32 $0x50, v0;
	v7 =	vor.u32 $0x60, v0;
	v8 =	vor.u32 $0x70, v0  }
0x5: {  	s0 =	rddreg [dreg:$0x2];
	s3 =	srdreg.scid;
	v9 =	vor.u32 $0xFFF85400, v0;
	v10 =	vor.u32 $0xFFF85410, v0;
	v11 =	vor.u32 $0xFFF85420, v0  }
0x6: {  	s2 =	simm.s32 $0x0;
	s1 =	stileid.u32;
	s10 =	simm.s32 $0x20000;
	v12 =	vor.u32 $0xFFF85430, v0;
	v13 =	vor.u32 $0xFFF85440, v0;
	v14 =	vor.u32 $0xFFF85450, v0  }
0x7: {  	s3 =	sand.u32 $0x1, s3;
	[smem:$0x7FF] =	sst s2;
	s6 =	sshll.u32 s1, $0xA;
	v15 =	vor.u32 $0xFFF85460, v0;
	v16 =	vor.u32 $0xFFF85470, v0;
	v17 =	vor.u32 $0xFFF85800, v0  }
0x8: {  	v18 =	vor.u32 $0xFFF85810, v0;
	v19 =	vor.u32 $0xFFF85820, v0;
	v20 =	vor.u32 $0xFFF85830, v0;
	s7 =	sshll.u32 s3, $0x9;
	_ =	strace $0x80000047;
	s30 =	ssub.s32 $0x2, s3  }
0x9: {  	v21 =	vor.u32 $0xFFF85840, v0;
	v22 =	vor.u32 $0xFFF85850, v0;
	v23 =	vor.u32 $0xFFF85860, v0;
	s3 =	sadd.s32 $0x600, s5;
	s6 =	sor.u32 s7, s6;
	s8 =	sshrl.u32 s30, $0x1  }
0xa: {  	v24 =	vor.u32 $0xFFF85870, v0;
	v25 =	vor.u32 $0xFFF85C00, v0;
	v26 =	vor.u32 $0xFFF85C10, v0;
	s7 =	simm.s32 $0x1;
	s9 =	sshrl.u32 s6, $0x3;
	s5 =	sadd.s32 s6, s5  }
0xb: {  	v27 =	vor.u32 $0xFFF85C20, v0;
	v28 =	vor.u32 $0xFFF85C30, v0;
	v29 =	vor.u32 $0xFFF85C40, v0;
	s31 =	ssub.s32 s30, s8;
	s8 =	simm.s32 $0x200;
	s4 =	sadd.s32 s4, s9  }
0xc: {  	v30 =	vor.u32 $0xFFF85C50, v0;
	v31 =	vor.u32 $0xFFF85C60, v0;
	v32 =	vor.u32 $0xFFF85C70, v0;
	s5 =	sadd.s32 $0xA00, s5;
	s6 =	smax.u32 s31, $0x1;
	s9 =	simm.s32 $0x1000  }
.LBB2_1:
0xd: {  	[tilespmem:s2], [sflag:$0x1] =	stream.linear.gather [hbm4b:s4+s2], $0x200, $0x38;
	[tilespmem:$0x2200] =	vst v63  }
0xe: {  	_ =	swait.ge [sflag:s7], $0x200  }
0xf: {  	[sflag:s7] =	ssyncset.done $0x0  }
0x10: {  	[sflag:s7] =	ssyncadd.s32 $0xFFFFFE00  }
0x11: {  	[tilespmem:s8], [sflag:$0x1] =	stream.linear.gather [hbm4b:s3+s2], $0x2000, $0x38;
	[tilespmem:$0x2200] =	vst v63  }
0x12: {  	_ =	swait.ge [sflag:s7], $0x2000  }
0x13: {  	[sflag:s7] =	ssyncset.done $0x0  }
0x14: {  	[sflag:s7] =	ssyncadd.s32 $0xFFFFE000  }
0x15: {  	v33 =	vld [tilespmem:$0x0];
	_ =	sdelay $0x4  }
0x16: {  	vm0 =	vgt.s32 v33, $0x3D8  }
0x17: {  	v34 =	vnsel vm0, $0x3D8, v33  }
0x18: {  	v35 =	vshll.u32 v34, $0x9;
	v34 =	vshll.u32 v34, $0x7  }
0x19: {  	v35 =	vand.u32 $0xFFFFF000, v35;
	v34 =	vand.u32 $0x380, v34  }
0x1a: {  	v34 =	vor.u32 v34, v35  }
0x1b: {  	vm13 =	vgt.s32 v33, $0x3D7;
	v54 =	vor.u32 v0, v34  }
0x1c: {  	v33 =	vadd.s32 $0xFFF85000, v54;
	_ =	sdelay $0x4  }
0x1d: {  	[tilespmem:v33+s8+$0x0] =	vst.idx.msk vm13, v1  }
0x1e: {  	v33 =	vld [tilespmem:$0x10];
	_ =	sdelay $0x4  }
0x1f: {  	vm14 =	vgt.s32 v33, $0x3D8  }
0x20: {  	v55 =	vnsel vm14, $0x3D8, v33  }
0x21: {  	v56 =	vshll.u32 v55, $0x9;
	v34 =	vshll.u32 v55, $0x7  }
0x22: {  	v35 =	vand.u32 $0xFFFFF000, v56;
	v34 =	vand.u32 $0x380, v34  }
0x23: {  	v34 =	vor.u32 v34, v35  }
0x24: {  	vm15 =	vgt.s32 v33, $0x3D7;
	v57 =	vor.u32 v2, v34  }
0x25: {  	v33 =	vadd.s32 $0xFFF85000, v57;
	_ =	sdelay $0x4  }
0x26: {  	[tilespmem:v33+s8+$0x0] =	vst.idx.msk vm15, v1  }
0x27: {  	v33 =	vld [tilespmem:$0x20];
	_ =	sdelay $0x4  }
0x28: {  	vm4 =	vgt.s32 v33, $0x3D8  }
0x29: {  	v58 =	vnsel vm4, $0x3D8, v33  }
0x2a: {  	v59 =	vshll.u32 v58, $0x9;
	v34 =	vshll.u32 v58, $0x7  }
0x2b: {  	v35 =	vand.u32 $0xFFFFF000, v59;
	v34 =	vand.u32 $0x380, v34  }
0x2c: {  	v34 =	vor.u32 v34, v35  }
0x2d: {  	vm5 =	vgt.s32 v33, $0x3D7;
	v60 =	vor.u32 v3, v34  }
0x2e: {  	v33 =	vadd.s32 $0xFFF85000, v60;
	_ =	sdelay $0x4  }
0x2f: {  	[tilespmem:v33+s8+$0x0] =	vst.idx.msk vm5, v1  }
0x30: {  	v33 =	vld [tilespmem:$0x30];
	_ =	sdelay $0x4  }
0x31: {  	vm6 =	vgt.s32 v33, $0x3D8  }
0x32: {  	v61 =	vnsel vm6, $0x3D8, v33  }
0x33: {  	v62 =	vshll.u32 v61, $0x9;
	v34 =	vshll.u32 v61, $0x7  }
0x34: {  	v35 =	vand.u32 $0xFFFFF000, v62;
	v34 =	vand.u32 $0x380, v34  }
0x35: {  	v34 =	vor.u32 v34, v35  }
0x36: {  	vm7 =	vgt.s32 v33, $0x3D7;
	v63 =	vor.u32 v4, v34  }
0x37: {  	v33 =	vadd.s32 $0xFFF85000, v63;
	_ =	sdelay $0x4  }
0x38: {  	[tilespmem:v33+s8+$0x0] =	vst.idx.msk vm7, v1  }
0x39: {  	v33 =	vld [tilespmem:$0x40];
	_ =	sdelay $0x4  }
0x3a: {  	vm8 =	vgt.s32 v33, $0x3D8  }
0x3b: {  	v36 =	vnsel vm8, $0x3D8, v33  }
0x3c: {  	v37 =	vshll.u32 v36, $0x9;
	v34 =	vshll.u32 v36, $0x7  }
0x3d: {  	v35 =	vand.u32 $0xFFFFF000, v37;
	v34 =	vand.u32 $0x380, v34  }
0x3e: {  	v34 =	vor.u32 v34, v35  }
0x3f: {  	vm9 =	vgt.s32 v33, $0x3D7;
	v38 =	vor.u32 v5, v34  }
0x40: {  	v33 =	vadd.s32 $0xFFF85000, v38;
	_ =	sdelay $0x4  }
0x41: {  	[tilespmem:v33+s8+$0x0] =	vst.idx.msk vm9, v1  }
0x42: {  	v33 =	vld [tilespmem:$0x50];
	_ =	sdelay $0x4  }
0x43: {  	vm10 =	vgt.s32 v33, $0x3D8  }
0x44: {  	v39 =	vnsel vm10, $0x3D8, v33  }
0x45: {  	v40 =	vshll.u32 v39, $0x9;
	v34 =	vshll.u32 v39, $0x7  }
0x46: {  	v35 =	vand.u32 $0xFFFFF000, v40;
	v34 =	vand.u32 $0x380, v34  }
0x47: {  	v34 =	vor.u32 v34, v35  }
0x48: {  	vm11 =	vgt.s32 v33, $0x3D7;
	v41 =	vor.u32 v6, v34  }
0x49: {  	v33 =	vadd.s32 $0xFFF85000, v41;
	_ =	sdelay $0x4  }
0x4a: {  	[tilespmem:v33+s8+$0x0] =	vst.idx.msk vm11, v1  }
0x4b: {  	v33 =	vld [tilespmem:$0x60];
	_ =	sdelay $0x4  }
0x4c: {  	vm12 =	vgt.s32 v33, $0x3D8  }
0x4d: {  	v42 =	vnsel vm12, $0x3D8, v33  }
0x4e: {  	v43 =	vshll.u32 v42, $0x9;
	v34 =	vshll.u32 v42, $0x7  }
0x4f: {  	v35 =	vand.u32 $0xFFFFF000, v43;
	v34 =	vand.u32 $0x380, v34  }
0x50: {  	v34 =	vor.u32 v34, v35  }
0x51: {  	vm13 =	vgt.s32 v33, $0x3D7;
	v44 =	vor.u32 v7, v34  }
0x52: {  	v33 =	vadd.s32 $0xFFF85000, v44;
	_ =	sdelay $0x4  }
0x53: {  	[tilespmem:v33+s8+$0x0] =	vst.idx.msk vm13, v1  }
0x54: {  	v33 =	vld [tilespmem:$0x70];
	_ =	sdelay $0x4  }
0x55: {  	vm14 =	vgt.s32 v33, $0x3D8  }
0x56: {  	v45 =	vnsel vm14, $0x3D8, v33  }
0x57: {  	v46 =	vshll.u32 v45, $0x9;
	v34 =	vshll.u32 v45, $0x7  }
0x58: {  	v35 =	vand.u32 $0xFFFFF000, v46;
	v34 =	vand.u32 $0x380, v34  }
0x59: {  	v34 =	vor.u32 v34, v35  }
0x5a: {  	vm15 =	vgt.s32 v33, $0x3D7;
	v47 =	vor.u32 v8, v34  }
0x5b: {  	v33 =	vadd.s32 $0xFFF85000, v47;
	_ =	sdelay $0x4  }
0x5c: {  	[tilespmem:v33+s8+$0x0] =	vst.idx.msk vm15, v1  }
0x5d: {  	v33 =	vld [tilespmem:$0x80];
	_ =	sdelay $0x4  }
0x5e: {  	vm4 =	vgt.s32 v33, $0x3D8  }
0x5f: {  	v48 =	vnsel vm4, $0x3D8, v33  }
0x60: {  	v49 =	vshll.u32 v48, $0x9;
	v34 =	vshll.u32 v48, $0x7  }
0x61: {  	v35 =	vand.u32 $0xFFFFF000, v49;
	v34 =	vand.u32 $0x380, v34  }
0x62: {  	vm5 =	vgt.s32 v33, $0x3D7;
	v50 =	vor.u32 v34, v35  }
0x63: {  	v33 =	vadd.s32 v9, v50;
	_ =	sdelay $0x4  }
0x64: {  	[tilespmem:v33+s8+$0x0] =	vst.idx.msk vm5, v1  }
0x65: {  	v33 =	vld [tilespmem:$0x90];
	_ =	sdelay $0x4  }
0x66: {  	vm6 =	vgt.s32 v33, $0x3D8  }
0x67: {  	v51 =	vnsel vm6, $0x3D8, v33  }
0x68: {  	v52 =	vshll.u32 v51, $0x9;
	v34 =	vshll.u32 v51, $0x7  }
0x69: {  	v35 =	vand.u32 $0xFFFFF000, v52;
	v34 =	vand.u32 $0x380, v34  }
0x6a: {  	vm7 =	vgt.s32 v33, $0x3D7;
	v53 =	vor.u32 v34, v35  }
0x6b: {  	v33 =	vadd.s32 v10, v53;
	_ =	sdelay $0x4  }
0x6c: {  	[tilespmem:v33+s8+$0x0] =	vst.idx.msk vm7, v1  }
0x6d: {  	v33 =	vld [tilespmem:$0xA0];
	_ =	sdelay $0x4  }
0x6e: {  	vm8 =	vgt.s32 v33, $0x3D8  }
0x6f: {  	v54 =	vnsel vm8, $0x3D8, v33  }
0x70: {  	v55 =	vshll.u32 v54, $0x9;
	v34 =	vshll.u32 v54, $0x7  }
0x71: {  	v35 =	vand.u32 $0xFFFFF000, v55;
	v34 =	vand.u32 $0x380, v34  }
0x72: {  	vm9 =	vgt.s32 v33, $0x3D7;
	v56 =	vor.u32 v34, v35  }
0x73: {  	v33 =	vadd.s32 v11, v56;
	_ =	sdelay $0x4  }
0x74: {  	[tilespmem:v33+s8+$0x0] =	vst.idx.msk vm9, v1  }
0x75: {  	v33 =	vld [tilespmem:$0xB0];
	_ =	sdelay $0x4  }
0x76: {  	vm10 =	vgt.s32 v33, $0x3D8  }
0x77: {  	v57 =	vnsel vm10, $0x3D8, v33  }
0x78: {  	v58 =	vshll.u32 v57, $0x9;
	v34 =	vshll.u32 v57, $0x7  }
0x79: {  	v35 =	vand.u32 $0xFFFFF000, v58;
	v34 =	vand.u32 $0x380, v34  }
0x7a: {  	vm11 =	vgt.s32 v33, $0x3D7;
	v59 =	vor.u32 v34, v35  }
0x7b: {  	v33 =	vadd.s32 v12, v59;
	_ =	sdelay $0x4  }
0x7c: {  	[tilespmem:v33+s8+$0x0] =	vst.idx.msk vm11, v1  }
0x7d: {  	v33 =	vld [tilespmem:$0xC0];
	_ =	sdelay $0x4  }
0x7e: {  	vm12 =	vgt.s32 v33, $0x3D8  }
0x7f: {  	v60 =	vnsel vm12, $0x3D8, v33  }
0x80: {  	v61 =	vshll.u32 v60, $0x9;
	v34 =	vshll.u32 v60, $0x7  }
0x81: {  	v35 =	vand.u32 $0xFFFFF000, v61;
	v34 =	vand.u32 $0x380, v34  }
0x82: {  	vm13 =	vgt.s32 v33, $0x3D7;
	v62 =	vor.u32 v34, v35  }
0x83: {  	v33 =	vadd.s32 v13, v62;
	_ =	sdelay $0x4  }
0x84: {  	[tilespmem:v33+s8+$0x0] =	vst.idx.msk vm13, v1  }
0x85: {  	v33 =	vld [tilespmem:$0xD0];
	_ =	sdelay $0x4  }
0x86: {  	vm14 =	vgt.s32 v33, $0x3D8  }
0x87: {  	v63 =	vnsel vm14, $0x3D8, v33  }
0x88: {  	v36 =	vshll.u32 v63, $0x9;
	v34 =	vshll.u32 v63, $0x7  }
0x89: {  	v35 =	vand.u32 $0xFFFFF000, v36;
	v34 =	vand.u32 $0x380, v34  }
0x8a: {  	vm15 =	vgt.s32 v33, $0x3D7;
	v37 =	vor.u32 v34, v35  }
0x8b: {  	v33 =	vadd.s32 v14, v37;
	_ =	sdelay $0x4  }
0x8c: {  	[tilespmem:v33+s8+$0x0] =	vst.idx.msk vm15, v1  }
0x8d: {  	v33 =	vld [tilespmem:$0xE0];
	_ =	sdelay $0x4  }
0x8e: {  	vm4 =	vgt.s32 v33, $0x3D8  }
0x8f: {  	v38 =	vnsel vm4, $0x3D8, v33  }
0x90: {  	v39 =	vshll.u32 v38, $0x9;
	v34 =	vshll.u32 v38, $0x7  }
0x91: {  	v35 =	vand.u32 $0xFFFFF000, v39;
	v34 =	vand.u32 $0x380, v34  }
0x92: {  	vm5 =	vgt.s32 v33, $0x3D7;
	v40 =	vor.u32 v34, v35  }
0x93: {  	v33 =	vadd.s32 v15, v40;
	_ =	sdelay $0x4  }
0x94: {  	[tilespmem:v33+s8+$0x0] =	vst.idx.msk vm5, v1  }
0x95: {  	v33 =	vld [tilespmem:$0xF0];
	_ =	sdelay $0x4  }
0x96: {  	vm6 =	vgt.s32 v33, $0x3D8  }
0x97: {  	v41 =	vnsel vm6, $0x3D8, v33  }
0x98: {  	v42 =	vshll.u32 v41, $0x9;
	v34 =	vshll.u32 v41, $0x7  }
0x99: {  	v35 =	vand.u32 $0xFFFFF000, v42;
	v34 =	vand.u32 $0x380, v34  }
0x9a: {  	vm7 =	vgt.s32 v33, $0x3D7;
	v43 =	vor.u32 v34, v35  }
0x9b: {  	v33 =	vadd.s32 v16, v43;
	_ =	sdelay $0x4  }
0x9c: {  	[tilespmem:v33+s8+$0x0] =	vst.idx.msk vm7, v1  }
0x9d: {  	v33 =	vld [tilespmem:$0x100];
	_ =	sdelay $0x4  }
0x9e: {  	vm8 =	vgt.s32 v33, $0x3D8  }
0x9f: {  	v44 =	vnsel vm8, $0x3D8, v33  }
0xa0: {  	v45 =	vshll.u32 v44, $0x9;
	v34 =	vshll.u32 v44, $0x7  }
0xa1: {  	v35 =	vand.u32 $0xFFFFF000, v45;
	v34 =	vand.u32 $0x380, v34  }
0xa2: {  	vm9 =	vgt.s32 v33, $0x3D7;
	v46 =	vor.u32 v34, v35  }
0xa3: {  	v33 =	vadd.s32 v17, v46;
	_ =	sdelay $0x4  }
0xa4: {  	[tilespmem:v33+s8+$0x0] =	vst.idx.msk vm9, v1  }
0xa5: {  	v33 =	vld [tilespmem:$0x110];
	_ =	sdelay $0x4  }
0xa6: {  	vm10 =	vgt.s32 v33, $0x3D8  }
0xa7: {  	v47 =	vnsel vm10, $0x3D8, v33  }
0xa8: {  	v48 =	vshll.u32 v47, $0x9;
	v34 =	vshll.u32 v47, $0x7  }
0xa9: {  	v35 =	vand.u32 $0xFFFFF000, v48;
	v34 =	vand.u32 $0x380, v34  }
0xaa: {  	vm11 =	vgt.s32 v33, $0x3D7;
	v49 =	vor.u32 v34, v35  }
0xab: {  	v33 =	vadd.s32 v18, v49;
	_ =	sdelay $0x4  }
0xac: {  	[tilespmem:v33+s8+$0x0] =	vst.idx.msk vm11, v1  }
0xad: {  	v33 =	vld [tilespmem:$0x120];
	_ =	sdelay $0x4  }
0xae: {  	vm12 =	vgt.s32 v33, $0x3D8  }
0xaf: {  	v50 =	vnsel vm12, $0x3D8, v33  }
0xb0: {  	v51 =	vshll.u32 v50, $0x9;
	v34 =	vshll.u32 v50, $0x7  }
0xb1: {  	v35 =	vand.u32 $0xFFFFF000, v51;
	v34 =	vand.u32 $0x380, v34  }
0xb2: {  	vm13 =	vgt.s32 v33, $0x3D7;
	v52 =	vor.u32 v34, v35  }
0xb3: {  	v33 =	vadd.s32 v19, v52;
	_ =	sdelay $0x4  }
0xb4: {  	[tilespmem:v33+s8+$0x0] =	vst.idx.msk vm13, v1  }
0xb5: {  	v33 =	vld [tilespmem:$0x130];
	_ =	sdelay $0x4  }
0xb6: {  	vm14 =	vgt.s32 v33, $0x3D8  }
0xb7: {  	v53 =	vnsel vm14, $0x3D8, v33  }
0xb8: {  	v54 =	vshll.u32 v53, $0x9;
	v34 =	vshll.u32 v53, $0x7  }
0xb9: {  	v35 =	vand.u32 $0xFFFFF000, v54;
	v34 =	vand.u32 $0x380, v34  }
0xba: {  	vm15 =	vgt.s32 v33, $0x3D7;
	v55 =	vor.u32 v34, v35  }
0xbb: {  	v33 =	vadd.s32 v20, v55;
	_ =	sdelay $0x4  }
0xbc: {  	[tilespmem:v33+s8+$0x0] =	vst.idx.msk vm15, v1  }
0xbd: {  	v33 =	vld [tilespmem:$0x140];
	_ =	sdelay $0x4  }
0xbe: {  	vm4 =	vgt.s32 v33, $0x3D8  }
0xbf: {  	v56 =	vnsel vm4, $0x3D8, v33  }
0xc0: {  	v57 =	vshll.u32 v56, $0x9;
	v34 =	vshll.u32 v56, $0x7  }
0xc1: {  	v35 =	vand.u32 $0xFFFFF000, v57;
	v34 =	vand.u32 $0x380, v34  }
0xc2: {  	vm5 =	vgt.s32 v33, $0x3D7;
	v58 =	vor.u32 v34, v35  }
0xc3: {  	v33 =	vadd.s32 v21, v58;
	_ =	sdelay $0x4  }
0xc4: {  	[tilespmem:v33+s8+$0x0] =	vst.idx.msk vm5, v1  }
0xc5: {  	v33 =	vld [tilespmem:$0x150];
	_ =	sdelay $0x4  }
0xc6: {  	vm6 =	vgt.s32 v33, $0x3D8  }
0xc7: {  	v59 =	vnsel vm6, $0x3D8, v33  }
0xc8: {  	v60 =	vshll.u32 v59, $0x9;
	v34 =	vshll.u32 v59, $0x7  }
0xc9: {  	v35 =	vand.u32 $0xFFFFF000, v60;
	v34 =	vand.u32 $0x380, v34  }
0xca: {  	vm7 =	vgt.s32 v33, $0x3D7;
	v61 =	vor.u32 v34, v35  }
0xcb: {  	v33 =	vadd.s32 v22, v61;
	_ =	sdelay $0x4  }
0xcc: {  	[tilespmem:v33+s8+$0x0] =	vst.idx.msk vm7, v1  }
0xcd: {  	v33 =	vld [tilespmem:$0x160];
	_ =	sdelay $0x4  }
0xce: {  	vm8 =	vgt.s32 v33, $0x3D8  }
0xcf: {  	v62 =	vnsel vm8, $0x3D8, v33  }
0xd0: {  	v63 =	vshll.u32 v62, $0x9;
	v34 =	vshll.u32 v62, $0x7  }
0xd1: {  	v35 =	vand.u32 $0xFFFFF000, v63;
	v34 =	vand.u32 $0x380, v34  }
0xd2: {  	vm9 =	vgt.s32 v33, $0x3D7;
	v36 =	vor.u32 v34, v35  }
0xd3: {  	v33 =	vadd.s32 v23, v36;
	_ =	sdelay $0x4  }
0xd4: {  	[tilespmem:v33+s8+$0x0] =	vst.idx.msk vm9, v1  }
0xd5: {  	v33 =	vld [tilespmem:$0x170];
	_ =	sdelay $0x4  }
0xd6: {  	vm10 =	vgt.s32 v33, $0x3D8  }
0xd7: {  	v37 =	vnsel vm10, $0x3D8, v33  }
0xd8: {  	v38 =	vshll.u32 v37, $0x9;
	v34 =	vshll.u32 v37, $0x7  }
0xd9: {  	v35 =	vand.u32 $0xFFFFF000, v38;
	v34 =	vand.u32 $0x380, v34  }
0xda: {  	vm11 =	vgt.s32 v33, $0x3D7;
	v39 =	vor.u32 v34, v35  }
0xdb: {  	v33 =	vadd.s32 v24, v39;
	_ =	sdelay $0x4  }
0xdc: {  	[tilespmem:v33+s8+$0x0] =	vst.idx.msk vm11, v1  }
0xdd: {  	v33 =	vld [tilespmem:$0x180];
	_ =	sdelay $0x4  }
0xde: {  	vm12 =	vgt.s32 v33, $0x3D8  }
0xdf: {  	v40 =	vnsel vm12, $0x3D8, v33  }
0xe0: {  	v41 =	vshll.u32 v40, $0x9;
	v34 =	vshll.u32 v40, $0x7  }
0xe1: {  	v35 =	vand.u32 $0xFFFFF000, v41;
	v34 =	vand.u32 $0x380, v34  }
0xe2: {  	vm13 =	vgt.s32 v33, $0x3D7;
	v42 =	vor.u32 v34, v35  }
0xe3: {  	v33 =	vadd.s32 v25, v42;
	_ =	sdelay $0x4  }
0xe4: {  	[tilespmem:v33+s8+$0x0] =	vst.idx.msk vm13, v1  }
0xe5: {  	v33 =	vld [tilespmem:$0x190];
	_ =	sdelay $0x4  }
0xe6: {  	vm14 =	vgt.s32 v33, $0x3D8  }
0xe7: {  	v43 =	vnsel vm14, $0x3D8, v33  }
0xe8: {  	v44 =	vshll.u32 v43, $0x9;
	v34 =	vshll.u32 v43, $0x7  }
0xe9: {  	v35 =	vand.u32 $0xFFFFF000, v44;
	v34 =	vand.u32 $0x380, v34  }
0xea: {  	vm15 =	vgt.s32 v33, $0x3D7;
	v45 =	vor.u32 v34, v35  }
0xeb: {  	v33 =	vadd.s32 v26, v45;
	_ =	sdelay $0x4  }
0xec: {  	[tilespmem:v33+s8+$0x0] =	vst.idx.msk vm15, v1  }
0xed: {  	v33 =	vld [tilespmem:$0x1A0];
	_ =	sdelay $0x4  }
0xee: {  	vm4 =	vgt.s32 v33, $0x3D8  }
0xef: {  	v46 =	vnsel vm4, $0x3D8, v33  }
0xf0: {  	v47 =	vshll.u32 v46, $0x9;
	v34 =	vshll.u32 v46, $0x7  }
0xf1: {  	v35 =	vand.u32 $0xFFFFF000, v47;
	v34 =	vand.u32 $0x380, v34  }
0xf2: {  	vm5 =	vgt.s32 v33, $0x3D7;
	v48 =	vor.u32 v34, v35  }
0xf3: {  	v33 =	vadd.s32 v27, v48;
	_ =	sdelay $0x4  }
0xf4: {  	[tilespmem:v33+s8+$0x0] =	vst.idx.msk vm5, v1  }
0xf5: {  	v33 =	vld [tilespmem:$0x1B0];
	_ =	sdelay $0x4  }
0xf6: {  	vm6 =	vgt.s32 v33, $0x3D8  }
0xf7: {  	v49 =	vnsel vm6, $0x3D8, v33  }
0xf8: {  	v50 =	vshll.u32 v49, $0x9;
	v34 =	vshll.u32 v49, $0x7  }
0xf9: {  	v35 =	vand.u32 $0xFFFFF000, v50;
	v34 =	vand.u32 $0x380, v34  }
0xfa: {  	vm7 =	vgt.s32 v33, $0x3D7;
	v51 =	vor.u32 v34, v35  }
0xfb: {  	v33 =	vadd.s32 v28, v51;
	_ =	sdelay $0x4  }
0xfc: {  	[tilespmem:v33+s8+$0x0] =	vst.idx.msk vm7, v1  }
0xfd: {  	v33 =	vld [tilespmem:$0x1C0];
	_ =	sdelay $0x4  }
0xfe: {  	vm8 =	vgt.s32 v33, $0x3D8  }
0xff: {  	v52 =	vnsel vm8, $0x3D8, v33  }
0x100: {  	v53 =	vshll.u32 v52, $0x9;
	v34 =	vshll.u32 v52, $0x7  }
0x101: {  	v35 =	vand.u32 $0xFFFFF000, v53;
	v34 =	vand.u32 $0x380, v34  }
0x102: {  	vm9 =	vgt.s32 v33, $0x3D7;
	v54 =	vor.u32 v34, v35  }
0x103: {  	v33 =	vadd.s32 v29, v54;
	_ =	sdelay $0x4  }
0x104: {  	[tilespmem:v33+s8+$0x0] =	vst.idx.msk vm9, v1  }
0x105: {  	v33 =	vld [tilespmem:$0x1D0];
	_ =	sdelay $0x4  }
0x106: {  	vm10 =	vgt.s32 v33, $0x3D8  }
0x107: {  	v55 =	vnsel vm10, $0x3D8, v33  }
0x108: {  	v56 =	vshll.u32 v55, $0x9;
	v34 =	vshll.u32 v55, $0x7  }
0x109: {  	v35 =	vand.u32 $0xFFFFF000, v56;
	v34 =	vand.u32 $0x380, v34  }
0x10a: {  	vm11 =	vgt.s32 v33, $0x3D7;
	v57 =	vor.u32 v34, v35  }
0x10b: {  	v33 =	vadd.s32 v30, v57;
	_ =	sdelay $0x4  }
0x10c: {  	[tilespmem:v33+s8+$0x0] =	vst.idx.msk vm11, v1  }
0x10d: {  	v33 =	vld [tilespmem:$0x1E0];
	_ =	sdelay $0x4  }
0x10e: {  	vm12 =	vgt.s32 v33, $0x3D8  }
0x10f: {  	v58 =	vnsel vm12, $0x3D8, v33  }
0x110: {  	v59 =	vshll.u32 v58, $0x9;
	v34 =	vshll.u32 v58, $0x7  }
0x111: {  	v35 =	vand.u32 $0xFFFFF000, v59;
	v34 =	vand.u32 $0x380, v34  }
0x112: {  	vm13 =	vgt.s32 v33, $0x3D7;
	v60 =	vor.u32 v34, v35  }
0x113: {  	v33 =	vadd.s32 v31, v60;
	_ =	sdelay $0x4  }
0x114: {  	[tilespmem:v33+s8+$0x0] =	vst.idx.msk vm13, v1  }
0x115: {  	v33 =	vld [tilespmem:$0x1F0];
	_ =	sdelay $0x4  }
0x116: {  	vm14 =	vgt.s32 v33, $0x3D8  }
0x117: {  	v61 =	vnsel vm14, $0x3D8, v33  }
0x118: {  	v62 =	vshll.u32 v61, $0x9;
	v34 =	vshll.u32 v61, $0x7  }
0x119: {  	v35 =	vand.u32 $0xFFFFF000, v62;
	v34 =	vand.u32 $0x380, v34  }
0x11a: {  	vm15 =	vgt.s32 v33, $0x3D7;
	v63 =	vor.u32 v34, v35  }
0x11b: {  	v33 =	vadd.s32 v32, v63;
	_ =	sdelay $0x3  }
0x11c: {  	p0 =	sne.s32 s6, $0x1  }
.Ltmp0:
0x11d: {  	[tilespmem:v33+s8+$0x0] =	vst.idx.msk vm15, v1;
	(pc) =	sbr.rel @p0 .LBB2_1-.Ltmp0, $4  }
0x11e: {  	[hbm4b:s5+s9] =	stream.strided.scatter [tilespmem:s8], [sflag:$0x1], $0x2000, s10, s9, $0x38;
	[tilespmem:$0x2200] =	vst v63  }
0x11f: {  	_ =	swait.ge [sflag:s7], $0x2000  }
0x120: {  	[sflag:s7] =	ssyncset.done $0x0  }
0x121: {  	s6 =	sadd.s32 $0xFFFFFFFF, s6;
	[sflag:s7] =	ssyncadd.s32 $0xFFFFE000  }
0x122: {  	_ =	sfence.sel $0x180000  }
0x123: {  	[bflag:$0x0] =	sbarrier.arrive $0xFFFF  }
0x124: {  	p0 =	sne.s32 s1, $0x0;
	_ =	strace $0x90000047  }
0x125: {  	s0 =	sadd.s32 @!p0 $0x100000, s0;
	[bflag:$0x2] =	sbarrier.arrive $0xFFFF  }
0x126: {  	[sflag:s0] =	ssyncadd.tile.s32 @!p0 $0x1;
	_ =	shalt  }
.Lfunc_end2:
_tile_overlayer_lowered:
.L_overlay_start_2:
0x127: {  	(tag) =	ssettag $0x2  }
0x128: {  	s0 =	rddreg [dreg:$0x0];
	s2 =	stileid.u32  }
0x129: {  	s1 =	rddreg [dreg:$0x1];
	p0 =	sne.s32 s2, $0x0  }
0x12a: {  	s3 =	rddreg [dreg:$0x2];
	[bflag:$0x3] =	sbarrier.arrive $0xFFFF;
	s2 =	simm.s32 @!p0 $0x1C01  }
0x12b: {  	[timem:s3], [sflag:s2] =	dma.local @!p0 [hbm:s0], s1  }
0x12c: {  	s0 =	simm.s32 @!p0 $0x1  }
0x12d: {  	_ =	swait.ge @!p0 [sflag:s0], s1  }
0x12e: {  	s1 =	ssub.s32 @!p0 $0x0, s1;
	[sflag:s0] =	ssyncset.done @!p0 $0x0  }
0x12f: {  	[sflag:s0] =	ssyncadd.s32 @!p0 s1  }
0x130: {  	[bflag:$0x3] =	sbarrier.arrive $0xFFFF  }
0x131: {  	_ =	shalt  }

</sc_bundles>
